<compile_context>
chip_gen: v7x
topology: tpu7x:2x2x1
jax: 0.10.2.dev20260603
libtpu: 0.0.44.dev20260713+nightly
codegen_flags: <defaults>
</compile_context>

<pallas_src>
import functools

import jax
import jax.numpy as jnp
from jax import lax
from jax.experimental import pallas as pl
from jax.experimental.pallas import tpu as pltpu
from jax.experimental.pallas import tpu_sc as plsc

_HIDDEN = 128
_SEQ = 200
_LANES = 16

_info = plsc.get_sparse_core_info()
_NC = _info.num_cores
_NS = _info.num_subcores
_NW = _NC * _NS

_C = 128


@functools.lru_cache(maxsize=None)
def _make_emb(B: int):
    assert B % (_NW * _SEQ) == 0
    b_per_w = B // _NW
    n_chunk = b_per_w // _C
    pos_rows = _SEQ + _C

    mesh = plsc.VectorSubcoreMesh(core_axis_name="c", subcore_axis_name="s")

    NBUF = 5
    DIST = 4
    assert n_chunk % NBUF == 0 and n_chunk >= 2 * NBUF

    @functools.partial(
        pl.kernel,
        out_type=jax.ShapeDtypeStruct((B, _HIDDEN), jnp.float32),
        mesh=mesh,
        scratch_types=(
            [pltpu.VMEM((b_per_w,), jnp.int32)]
            + [pltpu.VMEM((_C, _HIDDEN), jnp.float32) for _ in range(NBUF)]
            + [pltpu.VMEM_SHARED((pos_rows, _HIDDEN), jnp.float32)]
            + [pltpu.SemaphoreType.DMA for _ in range(3 * NBUF)]
        ),
    )
    def emb(x_hbm, table_hbm, pos_hbm, out_hbm, *sc):
        idx_all = sc[0]
        bufs = sc[1:NBUF + 1]
        pos_sh = sc[NBUF + 1]
        gsems = sc[NBUF + 2:2 * NBUF + 2]
        osems = sc[2 * NBUF + 2:3 * NBUF + 2]
        psems = sc[3 * NBUF + 2:4 * NBUF + 2]

        wid = lax.axis_index("s") * _NC + lax.axis_index("c")
        base = wid * b_per_w

        @pl.when(lax.axis_index("s") == 0)
        def _stage_pos():
            pltpu.sync_copy(pos_hbm, pos_sh.at[pl.ds(0, _SEQ)])
            pltpu.sync_copy(pos_hbm.at[pl.ds(0, _C)],
                            pos_sh.at[pl.ds(_SEQ, _C)])

        plsc.subcore_barrier()
        pltpu.sync_copy(x_hbm.at[pl.ds(base, b_per_w)], idx_all)

        def start_prefill(c, q):
            po = lax.rem(c * _C, _SEQ)
            pltpu.async_copy(pos_sh.at[pl.ds(po, _C)], bufs[q], psems[q])

        def start_gather(c, q):
            pltpu.make_async_copy(
                pos_sh.at[pl.ds(0, _C)], bufs[q], psems[q]).wait()
            pltpu.async_copy(
                table_hbm.at[idx_all.at[pl.ds(c * _C, _C)]], bufs[q],
                gsems[q], add=True)

        for m in range(DIST - 1):
            start_prefill(m, m % NBUF)
            start_gather(m, m % NBUF)
        start_prefill(DIST - 1, (DIST - 1) % NBUF)

        @pl.loop(0, n_chunk, step=NBUF)
        def _grp(cc):
            for j in range(NBUF):
                c = cc + j
                pltpu.make_async_copy(
                    table_hbm.at[idx_all.at[pl.ds(0, _C)]], bufs[j],
                    gsems[j]).wait()
                pltpu.async_copy(
                    bufs[j], out_hbm.at[pl.ds(base + c * _C, _C)], osems[j])

                @pl.when(c + DIST - 1 < n_chunk)
                def _gather_next():
                    start_gather(c + DIST - 1, (j + DIST - 1) % NBUF)

                q = (j + DIST) % NBUF

                @pl.when(c + DIST - NBUF >= 0)
                def _wait_out():
                    pltpu.make_async_copy(
                        bufs[q], out_hbm.at[pl.ds(base, _C)], osems[q]).wait()

                @pl.when(c + DIST < n_chunk)
                def _prefill_next():
                    start_prefill(c + DIST, q)

        for m in range(n_chunk - (NBUF - DIST), n_chunk):
            jm = m % NBUF
            pltpu.make_async_copy(
                bufs[jm], out_hbm.at[pl.ds(base, _C)], osems[jm]).wait()

    return emb


def kernel(X, word_table, pos_table):
    batch, seq = X.shape
    x_flat = X.reshape(-1).astype(jnp.int32)
    out = _make_emb(batch * seq)(x_flat, word_table, pos_table)
    return out.reshape(batch, seq, _HIDDEN)

# --- scband reference (transcript-rebuilt; emitter-appended) ---
"""Pipeline reference for scband-positional-embeddings-47528108097826 (READ-ONLY COPY).

The authoritative reference and input builder live on the scoring server;
editing this copy changes nothing except your own understanding.
"""

import jax, jax.numpy as jnp
import numpy as np

VOCAB = 100000
HIDDEN = 128
SEQ_LEN = 200
BATCH = 4096

def setup_inputs(seed: int = 0) -> dict:
    key = jax.random.key(seed)
    k1, k2, k3 = jax.random.split(key, 3)
    X = jax.random.randint(k1, (BATCH, SEQ_LEN), 0, VOCAB, dtype=jnp.int64 if jax.config.jax_enable_x64 else jnp.int32)
    word_table = jax.random.normal(k2, (VOCAB, HIDDEN), dtype=jnp.float32)
    pos_table = jax.random.normal(k3, (SEQ_LEN, HIDDEN), dtype=jnp.float32)
    return {"X": X, "word_table": word_table, "pos_table": pos_table}

def reference(X, word_table, pos_table):
    # word embedding lookup: gather rows of word_table
    w_embedding = jnp.take(word_table, X, axis=0)  # [B, L, H]
    # positional embedding lookup for positions [0, L)
    positions = jnp.arange(X.shape[1])
    p_embedding = jnp.take(pos_table, positions, axis=0)[None, :, :]  # [1, L, H]
    embeddings = w_embedding + p_embedding
    return embeddings

if __name__ == "__main__":
    import jax
    _d = setup_inputs()
    print(jax.jit(kernel)(*tuple(_d.values())))

</pallas_src>

<mosaic_0001>
#map = affine_map<(d0, d1) -> (0)>
#map1 = affine_map<(d0, d1) -> (0, 0)>
module attributes {stable_mosaic.version = 14 : i64} {
  func.func @emb(%arg0: i32, %arg1: i32, %arg2: memref<819200xi32, #tpu.memory_space<hbm>>, %arg3: memref<100000x128xf32, #tpu.memory_space<hbm>>, %arg4: memref<200x128xf32, #tpu.memory_space<hbm>>, %arg5: memref<819200x128xf32, #tpu.memory_space<hbm>>, %arg6: memref<25600xi32, #tpu.memory_space<vmem>>, %arg7: memref<128x128xf32, #tpu.memory_space<vmem>>, %arg8: memref<128x128xf32, #tpu.memory_space<vmem>>, %arg9: memref<128x128xf32, #tpu.memory_space<vmem>>, %arg10: memref<128x128xf32, #tpu.memory_space<vmem>>, %arg11: memref<128x128xf32, #tpu.memory_space<vmem>>, %arg12: memref<328x128xf32, #tpu.memory_space<vmem_shared>>, %arg13: memref<!tpu.dma_semaphore, #tpu.memory_space<semaphore_mem>>, %arg14: memref<!tpu.dma_semaphore, #tpu.memory_space<semaphore_mem>>, %arg15: memref<!tpu.dma_semaphore, #tpu.memory_space<semaphore_mem>>, %arg16: memref<!tpu.dma_semaphore, #tpu.memory_space<semaphore_mem>>, %arg17: memref<!tpu.dma_semaphore, #tpu.memory_space<semaphore_mem>>, %arg18: memref<!tpu.dma_semaphore, #tpu.memory_space<semaphore_mem>>, %arg19: memref<!tpu.dma_semaphore, #tpu.memory_space<semaphore_mem>>, %arg20: memref<!tpu.dma_semaphore, #tpu.memory_space<semaphore_mem>>, %arg21: memref<!tpu.dma_semaphore, #tpu.memory_space<semaphore_mem>>, %arg22: memref<!tpu.dma_semaphore, #tpu.memory_space<semaphore_mem>>, %arg23: memref<!tpu.dma_semaphore, #tpu.memory_space<semaphore_mem>>, %arg24: memref<!tpu.dma_semaphore, #tpu.memory_space<semaphore_mem>>, %arg25: memref<!tpu.dma_semaphore, #tpu.memory_space<semaphore_mem>>, %arg26: memref<!tpu.dma_semaphore, #tpu.memory_space<semaphore_mem>>, %arg27: memref<!tpu.dma_semaphore, #tpu.memory_space<semaphore_mem>>) attributes {dimension_semantics = [#tpu.dimension_semantics<core_parallel>, #tpu.dimension_semantics<subcore_parallel>], iteration_bounds = array<i64: 2, 16>, scalar_prefetch = 0 : i64, scratch_operands = 22 : i64, tpu.core_type = #tpu.core_type<sc_vector_subcore>, window_params = [{transform_indices = #map}, {transform_indices = #map1}, {transform_indices = #map1}, {transform_indices = #map1}]} {
    %mul3A = arith.constant 2 : i32
    %mul3A_0 = arith.muli %arg1, %mul3A : i32
    %add3A = arith.addi %mul3A_0, %arg0 : i32
    %mul3A_1 = arith.constant 25600 : i32
    %mul3A_2 = arith.muli %add3A, %mul3A_1 : i32
    %eq3A = arith.constant 0 : i32
    %eq3A_3 = arith.cmpi eq, %arg1, %eq3A : i32
    %convert_element_type3A = arith.extui %eq3A_3 : i1 to i32
    %cond3A = arith.constant 0 : i32
    %cond3A_4 = arith.cmpi ne, %convert_element_type3A, %cond3A : i32
    scf.if %cond3A_4 {
      "tpu.region"() ({
        %run_scoped3A = tpu.sem_alloc : memref<!tpu.dma_semaphore, #tpu.memory_space<semaphore_mem>>
        %dma_start3A_71 = arith.constant 0 : i32
        %dma_start3A_72 = arith.constant 0 : i32
        %dma_start3A_73 = tpu.memref_slice %arg12[%dma_start3A_71, %dma_start3A_72] : memref<328x128xf32, #tpu.memory_space<vmem_shared>> -> memref<200x128xf32, #tpu.memory_space<vmem_shared>>
        tpu.enqueue_dma source(%arg4 : memref<200x128xf32, #tpu.memory_space<hbm>>) target(%dma_start3A_73 : memref<200x128xf32, #tpu.memory_space<vmem_shared>>) target_semaphore(%run_scoped3A : memref<!tpu.dma_semaphore, #tpu.memory_space<semaphore_mem>>)
        %dma_wait3A_74 = arith.constant 0 : i32
        %dma_wait3A_75 = arith.constant 0 : i32
        %dma_wait3A_76 = tpu.memref_slice %arg12[%dma_wait3A_74, %dma_wait3A_75] : memref<328x128xf32, #tpu.memory_space<vmem_shared>> -> memref<200x128xf32, #tpu.memory_space<vmem_shared>>
        tpu.wait_dma2 semaphore(%run_scoped3A : memref<!tpu.dma_semaphore, #tpu.memory_space<semaphore_mem>>) src(%arg4 : memref<200x128xf32, #tpu.memory_space<hbm>>) dst(%dma_wait3A_76 : memref<200x128xf32, #tpu.memory_space<vmem_shared>>)
        tpu.yield
      }) : () -> ()
      "tpu.region"() ({
        %run_scoped3A = tpu.sem_alloc : memref<!tpu.dma_semaphore, #tpu.memory_space<semaphore_mem>>
        %dma_start3A_71 = arith.constant 200 : i32
        %dma_start3A_72 = arith.constant 0 : i32
        %dma_start3A_73 = tpu.memref_slice %arg12[%dma_start3A_71, %dma_start3A_72] : memref<328x128xf32, #tpu.memory_space<vmem_shared>> -> memref<128x128xf32, #tpu.memory_space<vmem_shared>>
        %dma_start3A_74 = arith.constant 0 : i32
        %dma_start3A_75 = arith.constant 0 : i32
        %dma_start3A_76 = tpu.memref_slice %arg4[%dma_start3A_74, %dma_start3A_75] : memref<200x128xf32, #tpu.memory_space<hbm>> -> memref<128x128xf32, #tpu.memory_space<hbm>>
        tpu.enqueue_dma source(%dma_start3A_76 : memref<128x128xf32, #tpu.memory_space<hbm>>) target(%dma_start3A_73 : memref<128x128xf32, #tpu.memory_space<vmem_shared>>) target_semaphore(%run_scoped3A : memref<!tpu.dma_semaphore, #tpu.memory_space<semaphore_mem>>)
        %dma_wait3A_77 = arith.constant 200 : i32
        %dma_wait3A_78 = arith.constant 0 : i32
        %dma_wait3A_79 = tpu.memref_slice %arg12[%dma_wait3A_77, %dma_wait3A_78] : memref<328x128xf32, #tpu.memory_space<vmem_shared>> -> memref<128x128xf32, #tpu.memory_space<vmem_shared>>
        %dma_wait3A_80 = arith.constant 0 : i32
        %dma_wait3A_81 = arith.constant 0 : i32
        %dma_wait3A_82 = tpu.memref_slice %arg4[%dma_wait3A_80, %dma_wait3A_81] : memref<200x128xf32, #tpu.memory_space<hbm>> -> memref<128x128xf32, #tpu.memory_space<hbm>>
        tpu.wait_dma2 semaphore(%run_scoped3A : memref<!tpu.dma_semaphore, #tpu.memory_space<semaphore_mem>>) src(%dma_wait3A_82 : memref<128x128xf32, #tpu.memory_space<hbm>>) dst(%dma_wait3A_79 : memref<128x128xf32, #tpu.memory_space<vmem_shared>>)
        tpu.yield
      }) : () -> ()
    } else {
    }
    %barrier3A = arith.constant 0 : index
    tpu.barrier barrier_id(%barrier3A)
    "tpu.region"() ({
      %run_scoped3A = tpu.sem_alloc : memref<!tpu.dma_semaphore, #tpu.memory_space<semaphore_mem>>
      %dma_start3A_71 = tpu.memref_slice %arg2[%mul3A_2] : memref<819200xi32, #tpu.memory_space<hbm>> -> memref<25600xi32, #tpu.memory_space<hbm>>
      %dma_start3A_72 = tpu.memref_slice %arg2[%mul3A_2] : memref<819200xi32, #tpu.memory_space<hbm>> -> memref<25600xi32, #tpu.memory_space<hbm>>
      tpu.enqueue_dma source(%dma_start3A_72 : memref<25600xi32, #tpu.memory_space<hbm>>) target(%arg6 : memref<25600xi32, #tpu.memory_space<vmem>>) target_semaphore(%run_scoped3A : memref<!tpu.dma_semaphore, #tpu.memory_space<semaphore_mem>>)
      %dma_wait3A_73 = tpu.memref_slice %arg2[%mul3A_2] : memref<819200xi32, #tpu.memory_space<hbm>> -> memref<25600xi32, #tpu.memory_space<hbm>>
      %dma_wait3A_74 = tpu.memref_slice %arg2[%mul3A_2] : memref<819200xi32, #tpu.memory_space<hbm>> -> memref<25600xi32, #tpu.memory_space<hbm>>
      tpu.wait_dma2 semaphore(%run_scoped3A : memref<!tpu.dma_semaphore, #tpu.memory_space<semaphore_mem>>) src(%dma_wait3A_74 : memref<25600xi32, #tpu.memory_space<hbm>>) dst(%arg6 : memref<25600xi32, #tpu.memory_space<vmem>>)
      tpu.yield
    }) : () -> ()
    %rem3A = arith.constant 0 : i32
    %rem3A_5 = arith.constant 200 : i32
    %rem3A_6 = arith.remsi %rem3A, %rem3A_5 : i32
    %dma_start3A = arith.constant 0 : i32
    %dma_start3A_7 = tpu.memref_slice %arg12[%rem3A_6, %dma_start3A] : memref<328x128xf32, #tpu.memory_space<vmem_shared>> -> memref<128x128xf32, #tpu.memory_space<vmem_shared>>
    %dma_start3A_8 = arith.constant 0 : i32
    %dma_start3A_9 = tpu.memref_slice %arg12[%rem3A_6, %dma_start3A_8] : memref<328x128xf32, #tpu.memory_space<vmem_shared>> -> memref<128x128xf32, #tpu.memory_space<vmem_shared>>
    tpu.enqueue_dma source(%dma_start3A_9 : memref<128x128xf32, #tpu.memory_space<vmem_shared>>) target(%arg7 : memref<128x128xf32, #tpu.memory_space<vmem>>) target_semaphore(%arg23 : memref<!tpu.dma_semaphore, #tpu.memory_space<semaphore_mem>>)
    %dma_wait3A = arith.constant 0 : i32
    %dma_wait3A_10 = arith.constant 0 : i32
    %dma_wait3A_11 = tpu.memref_slice %arg12[%dma_wait3A, %dma_wait3A_10] : memref<328x128xf32, #tpu.memory_space<vmem_shared>> -> memref<128x128xf32, #tpu.memory_space<vmem_shared>>
    %dma_wait3A_12 = arith.constant 0 : i32
    %dma_wait3A_13 = arith.constant 0 : i32
    %dma_wait3A_14 = tpu.memref_slice %arg12[%dma_wait3A_12, %dma_wait3A_13] : memref<328x128xf32, #tpu.memory_space<vmem_shared>> -> memref<128x128xf32, #tpu.memory_space<vmem_shared>>
    tpu.wait_dma2 semaphore(%arg23 : memref<!tpu.dma_semaphore, #tpu.memory_space<semaphore_mem>>) src(%dma_wait3A_14 : memref<128x128xf32, #tpu.memory_space<vmem_shared>>) dst(%arg7 : memref<128x128xf32, #tpu.memory_space<vmem>>)
    %dma_start3A_15 = arith.constant 0 : i32
    %dma_start3A_16 = tpu.memref_slice %arg6[%dma_start3A_15] : memref<25600xi32, #tpu.memory_space<vmem>> -> memref<128xi32, #tpu.memory_space<vmem>>
    %dma_start3A_17 = arith.constant 0 : i32
    %dma_start3A_18 = arith.constant 0 : i32
    %dma_start3A_19 = tpu.memref_slice %arg3[%dma_start3A_17, %dma_start3A_18] : memref<100000x128xf32, #tpu.memory_space<hbm>> -> memref<100000x128xf32, #tpu.memory_space<hbm>>
    tpu.enqueue_indirect_dma source(%dma_start3A_19 : memref<100000x128xf32, #tpu.memory_space<hbm>>) target(%arg7 : memref<128x128xf32, #tpu.memory_space<vmem>>) offsets(%dma_start3A_16 : memref<128xi32, #tpu.memory_space<vmem>>) semaphore(%arg13 : memref<!tpu.dma_semaphore, #tpu.memory_space<semaphore_mem>>) {add = true}
    %rem3A_20 = arith.constant 128 : i32
    %rem3A_21 = arith.constant 200 : i32
    %rem3A_22 = arith.remsi %rem3A_20, %rem3A_21 : i32
    %dma_start3A_23 = arith.constant 0 : i32
    %dma_start3A_24 = tpu.memref_slice %arg12[%rem3A_22, %dma_start3A_23] : memref<328x128xf32, #tpu.memory_space<vmem_shared>> -> memref<128x128xf32, #tpu.memory_space<vmem_shared>>
    %dma_start3A_25 = arith.constant 0 : i32
    %dma_start3A_26 = tpu.memref_slice %arg12[%rem3A_22, %dma_start3A_25] : memref<328x128xf32, #tpu.memory_space<vmem_shared>> -> memref<128x128xf32, #tpu.memory_space<vmem_shared>>
    tpu.enqueue_dma source(%dma_start3A_26 : memref<128x128xf32, #tpu.memory_space<vmem_shared>>) target(%arg8 : memref<128x128xf32, #tpu.memory_space<vmem>>) target_semaphore(%arg24 : memref<!tpu.dma_semaphore, #tpu.memory_space<semaphore_mem>>)
    %dma_wait3A_27 = arith.constant 0 : i32
    %dma_wait3A_28 = arith.constant 0 : i32
    %dma_wait3A_29 = tpu.memref_slice %arg12[%dma_wait3A_27, %dma_wait3A_28] : memref<328x128xf32, #tpu.memory_space<vmem_shared>> -> memref<128x128xf32, #tpu.memory_space<vmem_shared>>
    %dma_wait3A_30 = arith.constant 0 : i32
    %dma_wait3A_31 = arith.constant 0 : i32
    %dma_wait3A_32 = tpu.memref_slice %arg12[%dma_wait3A_30, %dma_wait3A_31] : memref<328x128xf32, #tpu.memory_space<vmem_shared>> -> memref<128x128xf32, #tpu.memory_space<vmem_shared>>
    tpu.wait_dma2 semaphore(%arg24 : memref<!tpu.dma_semaphore, #tpu.memory_space<semaphore_mem>>) src(%dma_wait3A_32 : memref<128x128xf32, #tpu.memory_space<vmem_shared>>) dst(%arg8 : memref<128x128xf32, #tpu.memory_space<vmem>>)
    %dma_start3A_33 = arith.constant 128 : i32
    %dma_start3A_34 = tpu.memref_slice %arg6[%dma_start3A_33] : memref<25600xi32, #tpu.memory_space<vmem>> -> memref<128xi32, #tpu.memory_space<vmem>>
    %dma_start3A_35 = arith.constant 0 : i32
    %dma_start3A_36 = arith.constant 0 : i32
    %dma_start3A_37 = tpu.memref_slice %arg3[%dma_start3A_35, %dma_start3A_36] : memref<100000x128xf32, #tpu.memory_space<hbm>> -> memref<100000x128xf32, #tpu.memory_space<hbm>>
    tpu.enqueue_indirect_dma source(%dma_start3A_37 : memref<100000x128xf32, #tpu.memory_space<hbm>>) target(%arg8 : memref<128x128xf32, #tpu.memory_space<vmem>>) offsets(%dma_start3A_34 : memref<128xi32, #tpu.memory_space<vmem>>) semaphore(%arg14 : memref<!tpu.dma_semaphore, #tpu.memory_space<semaphore_mem>>) {add = true}
    %rem3A_38 = arith.constant 256 : i32
    %rem3A_39 = arith.constant 200 : i32
    %rem3A_40 = arith.remsi %rem3A_38, %rem3A_39 : i32
    %dma_start3A_41 = arith.constant 0 : i32
    %dma_start3A_42 = tpu.memref_slice %arg12[%rem3A_40, %dma_start3A_41] : memref<328x128xf32, #tpu.memory_space<vmem_shared>> -> memref<128x128xf32, #tpu.memory_space<vmem_shared>>
    %dma_start3A_43 = arith.constant 0 : i32
    %dma_start3A_44 = tpu.memref_slice %arg12[%rem3A_40, %dma_start3A_43] : memref<328x128xf32, #tpu.memory_space<vmem_shared>> -> memref<128x128xf32, #tpu.memory_space<vmem_shared>>
    tpu.enqueue_dma source(%dma_start3A_44 : memref<128x128xf32, #tpu.memory_space<vmem_shared>>) target(%arg9 : memref<128x128xf32, #tpu.memory_space<vmem>>) target_semaphore(%arg25 : memref<!tpu.dma_semaphore, #tpu.memory_space<semaphore_mem>>)
    %dma_wait3A_45 = arith.constant 0 : i32
    %dma_wait3A_46 = arith.constant 0 : i32
    %dma_wait3A_47 = tpu.memref_slice %arg12[%dma_wait3A_45, %dma_wait3A_46] : memref<328x128xf32, #tpu.memory_space<vmem_shared>> -> memref<128x128xf32, #tpu.memory_space<vmem_shared>>
    %dma_wait3A_48 = arith.constant 0 : i32
    %dma_wait3A_49 = arith.constant 0 : i32
    %dma_wait3A_50 = tpu.memref_slice %arg12[%dma_wait3A_48, %dma_wait3A_49] : memref<328x128xf32, #tpu.memory_space<vmem_shared>> -> memref<128x128xf32, #tpu.memory_space<vmem_shared>>
    tpu.wait_dma2 semaphore(%arg25 : memref<!tpu.dma_semaphore, #tpu.memory_space<semaphore_mem>>) src(%dma_wait3A_50 : memref<128x128xf32, #tpu.memory_space<vmem_shared>>) dst(%arg9 : memref<128x128xf32, #tpu.memory_space<vmem>>)
    %dma_start3A_51 = arith.constant 256 : i32
    %dma_start3A_52 = tpu.memref_slice %arg6[%dma_start3A_51] : memref<25600xi32, #tpu.memory_space<vmem>> -> memref<128xi32, #tpu.memory_space<vmem>>
    %dma_start3A_53 = arith.constant 0 : i32
    %dma_start3A_54 = arith.constant 0 : i32
    %dma_start3A_55 = tpu.memref_slice %arg3[%dma_start3A_53, %dma_start3A_54] : memref<100000x128xf32, #tpu.memory_space<hbm>> -> memref<100000x128xf32, #tpu.memory_space<hbm>>
    tpu.enqueue_indirect_dma source(%dma_start3A_55 : memref<100000x128xf32, #tpu.memory_space<hbm>>) target(%arg9 : memref<128x128xf32, #tpu.memory_space<vmem>>) offsets(%dma_start3A_52 : memref<128xi32, #tpu.memory_space<vmem>>) semaphore(%arg15 : memref<!tpu.dma_semaphore, #tpu.memory_space<semaphore_mem>>) {add = true}
    %rem3A_56 = arith.constant 384 : i32
    %rem3A_57 = arith.constant 200 : i32
    %rem3A_58 = arith.remsi %rem3A_56, %rem3A_57 : i32
    %dma_start3A_59 = arith.constant 0 : i32
    %dma_start3A_60 = tpu.memref_slice %arg12[%rem3A_58, %dma_start3A_59] : memref<328x128xf32, #tpu.memory_space<vmem_shared>> -> memref<128x128xf32, #tpu.memory_space<vmem_shared>>
    %dma_start3A_61 = arith.constant 0 : i32
    %dma_start3A_62 = tpu.memref_slice %arg12[%rem3A_58, %dma_start3A_61] : memref<328x128xf32, #tpu.memory_space<vmem_shared>> -> memref<128x128xf32, #tpu.memory_space<vmem_shared>>
    tpu.enqueue_dma source(%dma_start3A_62 : memref<128x128xf32, #tpu.memory_space<vmem_shared>>) target(%arg10 : memref<128x128xf32, #tpu.memory_space<vmem>>) target_semaphore(%arg26 : memref<!tpu.dma_semaphore, #tpu.memory_space<semaphore_mem>>)
    %scan3A = arith.constant 0 : i32
    %scan3A_63 = arith.constant 40 : i32
    %scan3A_64 = arith.addi %scan3A, %scan3A_63 : i32
    %scan3A_65 = arith.constant 1 : i32
    scf.for %scan3A_71 = %scan3A to %scan3A_64 step %scan3A_65  : i32 {
      %mul3A_72 = arith.constant 5 : i32
      %mul3A_73 = arith.muli %scan3A_71, %mul3A_72 : i32
      %add3A_74 = arith.constant 0 : i32
      %add3A_75 = arith.addi %add3A_74, %mul3A_73 : i32
      %add3A_76 = arith.constant 0 : i32
      %add3A_77 = arith.addi %add3A_75, %add3A_76 : i32
      %dma_wait3A_78 = arith.constant 0 : i32
      %dma_wait3A_79 = tpu.memref_slice %arg6[%dma_wait3A_78] : memref<25600xi32, #tpu.memory_space<vmem>> -> memref<128xi32, #tpu.memory_space<vmem>>
      %dma_wait3A_80 = arith.constant 0 : i32
      %dma_wait3A_81 = arith.constant 0 : i32
      %dma_wait3A_82 = tpu.memref_slice %arg3[%dma_wait3A_80, %dma_wait3A_81] : memref<100000x128xf32, #tpu.memory_space<hbm>> -> memref<100000x128xf32, #tpu.memory_space<hbm>>
      tpu.wait_indirect_dma semaphore(%arg13 : memref<!tpu.dma_semaphore, #tpu.memory_space<semaphore_mem>>) src(%dma_wait3A_82 : memref<100000x128xf32, #tpu.memory_space<hbm>>) dst(%arg7 : memref<128x128xf32, #tpu.memory_space<vmem>>)
      %mul3A_83 = arith.constant 128 : i32
      %mul3A_84 = arith.muli %add3A_77, %mul3A_83 : i32
      %add3A_85 = arith.addi %mul3A_2, %mul3A_84 : i32
      %dma_start3A_86 = arith.constant 0 : i32
      %dma_start3A_87 = tpu.memref_slice %arg5[%add3A_85, %dma_start3A_86] : memref<819200x128xf32, #tpu.memory_space<hbm>> -> memref<128x128xf32, #tpu.memory_space<hbm>>
      %dma_start3A_88 = arith.constant 0 : i32
      %dma_start3A_89 = tpu.memref_slice %arg5[%add3A_85, %dma_start3A_88] : memref<819200x128xf32, #tpu.memory_space<hbm>> -> memref<128x128xf32, #tpu.memory_space<hbm>>
      tpu.enqueue_dma source(%arg7 : memref<128x128xf32, #tpu.memory_space<vmem>>) target(%dma_start3A_89 : memref<128x128xf32, #tpu.memory_space<hbm>>) target_semaphore(%arg18 : memref<!tpu.dma_semaphore, #tpu.memory_space<semaphore_mem>>)
      %add3A_90 = arith.constant 4 : i32
      %add3A_91 = arith.addi %add3A_77, %add3A_90 : i32
      %sub3A = arith.constant 1 : i32
      %sub3A_92 = arith.subi %add3A_91, %sub3A : i32
      %lt3A = arith.constant 200 : i32
      %lt3A_93 = arith.cmpi slt, %sub3A_92, %lt3A : i32
      %convert_element_type3A_94 = arith.extui %lt3A_93 : i1 to i32
      %cond3A_95 = arith.constant 0 : i32
      %cond3A_96 = arith.cmpi ne, %convert_element_type3A_94, %cond3A_95 : i32
      scf.if %cond3A_96 {
        %add3A_268 = arith.constant 4 : i32
        %add3A_269 = arith.addi %add3A_77, %add3A_268 : i32
        %sub3A_270 = arith.constant 1 : i32
        %sub3A_271 = arith.subi %add3A_269, %sub3A_270 : i32
        %dma_wait3A_272 = arith.constant 0 : i32
        %dma_wait3A_273 = arith.constant 0 : i32
        %dma_wait3A_274 = tpu.memref_slice %arg12[%dma_wait3A_272, %dma_wait3A_273] : memref<328x128xf32, #tpu.memory_space<vmem_shared>> -> memref<128x128xf32, #tpu.memory_space<vmem_shared>>
        %dma_wait3A_275 = arith.constant 0 : i32
        %dma_wait3A_276 = arith.constant 0 : i32
        %dma_wait3A_277 = tpu.memref_slice %arg12[%dma_wait3A_275, %dma_wait3A_276] : memref<328x128xf32, #tpu.memory_space<vmem_shared>> -> memref<128x128xf32, #tpu.memory_space<vmem_shared>>
        tpu.wait_dma2 semaphore(%arg26 : memref<!tpu.dma_semaphore, #tpu.memory_space<semaphore_mem>>) src(%dma_wait3A_277 : memref<128x128xf32, #tpu.memory_space<vmem_shared>>) dst(%arg10 : memref<128x128xf32, #tpu.memory_space<vmem>>)
        %mul3A_278 = arith.constant 128 : i32
        %mul3A_279 = arith.muli %sub3A_271, %mul3A_278 : i32
        %dma_start3A_280 = tpu.memref_slice %arg6[%mul3A_279] : memref<25600xi32, #tpu.memory_space<vmem>> -> memref<128xi32, #tpu.memory_space<vmem>>
        %dma_start3A_281 = arith.constant 0 : i32
        %dma_start3A_282 = arith.constant 0 : i32
        %dma_start3A_283 = tpu.memref_slice %arg3[%dma_start3A_281, %dma_start3A_282] : memref<100000x128xf32, #tpu.memory_space<hbm>> -> memref<100000x128xf32, #tpu.memory_space<hbm>>
        tpu.enqueue_indirect_dma source(%dma_start3A_283 : memref<100000x128xf32, #tpu.memory_space<hbm>>) target(%arg10 : memref<128x128xf32, #tpu.memory_space<vmem>>) offsets(%dma_start3A_280 : memref<128xi32, #tpu.memory_space<vmem>>) semaphore(%arg16 : memref<!tpu.dma_semaphore, #tpu.memory_space<semaphore_mem>>) {add = true}
      } else {
      }
      %add3A_97 = arith.constant 4 : i32
      %add3A_98 = arith.addi %add3A_77, %add3A_97 : i32
      %sub3A_99 = arith.constant 5 : i32
      %sub3A_100 = arith.subi %add3A_98, %sub3A_99 : i32
      %ge3A = arith.constant 0 : i32
      %ge3A_101 = arith.cmpi sge, %sub3A_100, %ge3A : i32
      %convert_element_type3A_102 = arith.extui %ge3A_101 : i1 to i32
      %cond3A_103 = arith.constant 0 : i32
      %cond3A_104 = arith.cmpi ne, %convert_element_type3A_102, %cond3A_103 : i32
      scf.if %cond3A_104 {
        %dma_wait3A_268 = arith.constant 0 : i32
        %dma_wait3A_269 = tpu.memref_slice %arg5[%mul3A_2, %dma_wait3A_268] : memref<819200x128xf32, #tpu.memory_space<hbm>> -> memref<128x128xf32, #tpu.memory_space<hbm>>
        %dma_wait3A_270 = arith.constant 0 : i32
        %dma_wait3A_271 = tpu.memref_slice %arg5[%mul3A_2, %dma_wait3A_270] : memref<819200x128xf32, #tpu.memory_space<hbm>> -> memref<128x128xf32, #tpu.memory_space<hbm>>
        tpu.wait_dma2 semaphore(%arg22 : memref<!tpu.dma_semaphore, #tpu.memory_space<semaphore_mem>>) src(%arg11 : memref<128x128xf32, #tpu.memory_space<vmem>>) dst(%dma_wait3A_271 : memref<128x128xf32, #tpu.memory_space<hbm>>)
      } else {
      }
      %add3A_105 = arith.constant 4 : i32
      %add3A_106 = arith.addi %add3A_77, %add3A_105 : i32
      %lt3A_107 = arith.constant 200 : i32
      %lt3A_108 = arith.cmpi slt, %add3A_106, %lt3A_107 : i32
      %convert_element_type3A_109 = arith.extui %lt3A_108 : i1 to i32
      %cond3A_110 = arith.constant 0 : i32
      %cond3A_111 = arith.cmpi ne, %convert_element_type3A_109, %cond3A_110 : i32
      scf.if %cond3A_111 {
        %add3A_268 = arith.constant 4 : i32
        %add3A_269 = arith.addi %add3A_77, %add3A_268 : i32
        %mul3A_270 = arith.constant 128 : i32
        %mul3A_271 = arith.muli %add3A_269, %mul3A_270 : i32
        %rem3A_272 = arith.constant 200 : i32
        %rem3A_273 = arith.remsi %mul3A_271, %rem3A_272 : i32
        %dma_start3A_274 = arith.constant 0 : i32
        %dma_start3A_275 = tpu.memref_slice %arg12[%rem3A_273, %dma_start3A_274] : memref<328x128xf32, #tpu.memory_space<vmem_shared>> -> memref<128x128xf32, #tpu.memory_space<vmem_shared>>
        %dma_start3A_276 = arith.constant 0 : i32
        %dma_start3A_277 = tpu.memref_slice %arg12[%rem3A_273, %dma_start3A_276] : memref<328x128xf32, #tpu.memory_space<vmem_shared>> -> memref<128x128xf32, #tpu.memory_space<vmem_shared>>
        tpu.enqueue_dma source(%dma_start3A_277 : memref<128x128xf32, #tpu.memory_space<vmem_shared>>) target(%arg11 : memref<128x128xf32, #tpu.memory_space<vmem>>) target_semaphore(%arg27 : memref<!tpu.dma_semaphore, #tpu.memory_space<semaphore_mem>>)
      } else {
      }
      %add3A_112 = arith.constant 1 : i32
      %add3A_113 = arith.addi %add3A_75, %add3A_112 : i32
      %dma_wait3A_114 = arith.constant 0 : i32
      %dma_wait3A_115 = tpu.memref_slice %arg6[%dma_wait3A_114] : memref<25600xi32, #tpu.memory_space<vmem>> -> memref<128xi32, #tpu.memory_space<vmem>>
      %dma_wait3A_116 = arith.constant 0 : i32
      %dma_wait3A_117 = arith.constant 0 : i32
      %dma_wait3A_118 = tpu.memref_slice %arg3[%dma_wait3A_116, %dma_wait3A_117] : memref<100000x128xf32, #tpu.memory_space<hbm>> -> memref<100000x128xf32, #tpu.memory_space<hbm>>
      tpu.wait_indirect_dma semaphore(%arg14 : memref<!tpu.dma_semaphore, #tpu.memory_space<semaphore_mem>>) src(%dma_wait3A_118 : memref<100000x128xf32, #tpu.memory_space<hbm>>) dst(%arg8 : memref<128x128xf32, #tpu.memory_space<vmem>>)
      %mul3A_119 = arith.constant 128 : i32
      %mul3A_120 = arith.muli %add3A_113, %mul3A_119 : i32
      %add3A_121 = arith.addi %mul3A_2, %mul3A_120 : i32
      %dma_start3A_122 = arith.constant 0 : i32
      %dma_start3A_123 = tpu.memref_slice %arg5[%add3A_121, %dma_start3A_122] : memref<819200x128xf32, #tpu.memory_space<hbm>> -> memref<128x128xf32, #tpu.memory_space<hbm>>
      %dma_start3A_124 = arith.constant 0 : i32
      %dma_start3A_125 = tpu.memref_slice %arg5[%add3A_121, %dma_start3A_124] : memref<819200x128xf32, #tpu.memory_space<hbm>> -> memref<128x128xf32, #tpu.memory_space<hbm>>
      tpu.enqueue_dma source(%arg8 : memref<128x128xf32, #tpu.memory_space<vmem>>) target(%dma_start3A_125 : memref<128x128xf32, #tpu.memory_space<hbm>>) target_semaphore(%arg19 : memref<!tpu.dma_semaphore, #tpu.memory_space<semaphore_mem>>)
      %add3A_126 = arith.constant 4 : i32
      %add3A_127 = arith.addi %add3A_113, %add3A_126 : i32
      %sub3A_128 = arith.constant 1 : i32
      %sub3A_129 = arith.subi %add3A_127, %sub3A_128 : i32
      %lt3A_130 = arith.constant 200 : i32
      %lt3A_131 = arith.cmpi slt, %sub3A_129, %lt3A_130 : i32
      %convert_element_type3A_132 = arith.extui %lt3A_131 : i1 to i32
      %cond3A_133 = arith.constant 0 : i32
      %cond3A_134 = arith.cmpi ne, %convert_element_type3A_132, %cond3A_133 : i32
      scf.if %cond3A_134 {
        %add3A_268 = arith.constant 4 : i32
        %add3A_269 = arith.addi %add3A_113, %add3A_268 : i32
        %sub3A_270 = arith.constant 1 : i32
        %sub3A_271 = arith.subi %add3A_269, %sub3A_270 : i32
        %dma_wait3A_272 = arith.constant 0 : i32
        %dma_wait3A_273 = arith.constant 0 : i32
        %dma_wait3A_274 = tpu.memref_slice %arg12[%dma_wait3A_272, %dma_wait3A_273] : memref<328x128xf32, #tpu.memory_space<vmem_shared>> -> memref<128x128xf32, #tpu.memory_space<vmem_shared>>
        %dma_wait3A_275 = arith.constant 0 : i32
        %dma_wait3A_276 = arith.constant 0 : i32
        %dma_wait3A_277 = tpu.memref_slice %arg12[%dma_wait3A_275, %dma_wait3A_276] : memref<328x128xf32, #tpu.memory_space<vmem_shared>> -> memref<128x128xf32, #tpu.memory_space<vmem_shared>>
        tpu.wait_dma2 semaphore(%arg27 : memref<!tpu.dma_semaphore, #tpu.memory_space<semaphore_mem>>) src(%dma_wait3A_277 : memref<128x128xf32, #tpu.memory_space<vmem_shared>>) dst(%arg11 : memref<128x128xf32, #tpu.memory_space<vmem>>)
        %mul3A_278 = arith.constant 128 : i32
        %mul3A_279 = arith.muli %sub3A_271, %mul3A_278 : i32
        %dma_start3A_280 = tpu.memref_slice %arg6[%mul3A_279] : memref<25600xi32, #tpu.memory_space<vmem>> -> memref<128xi32, #tpu.memory_space<vmem>>
        %dma_start3A_281 = arith.constant 0 : i32
        %dma_start3A_282 = arith.constant 0 : i32
        %dma_start3A_283 = tpu.memref_slice %arg3[%dma_start3A_281, %dma_start3A_282] : memref<100000x128xf32, #tpu.memory_space<hbm>> -> memref<100000x128xf32, #tpu.memory_space<hbm>>
        tpu.enqueue_indirect_dma source(%dma_start3A_283 : memref<100000x128xf32, #tpu.memory_space<hbm>>) target(%arg11 : memref<128x128xf32, #tpu.memory_space<vmem>>) offsets(%dma_start3A_280 : memref<128xi32, #tpu.memory_space<vmem>>) semaphore(%arg17 : memref<!tpu.dma_semaphore, #tpu.memory_space<semaphore_mem>>) {add = true}
      } else {
      }
      %add3A_135 = arith.constant 4 : i32
      %add3A_136 = arith.addi %add3A_113, %add3A_135 : i32
      %sub3A_137 = arith.constant 5 : i32
      %sub3A_138 = arith.subi %add3A_136, %sub3A_137 : i32
      %ge3A_139 = arith.constant 0 : i32
      %ge3A_140 = arith.cmpi sge, %sub3A_138, %ge3A_139 : i32
      %convert_element_type3A_141 = arith.extui %ge3A_140 : i1 to i32
      %cond3A_142 = arith.constant 0 : i32
      %cond3A_143 = arith.cmpi ne, %convert_element_type3A_141, %cond3A_142 : i32
      scf.if %cond3A_143 {
        %dma_wait3A_268 = arith.constant 0 : i32
        %dma_wait3A_269 = tpu.memref_slice %arg5[%mul3A_2, %dma_wait3A_268] : memref<819200x128xf32, #tpu.memory_space<hbm>> -> memref<128x128xf32, #tpu.memory_space<hbm>>
        %dma_wait3A_270 = arith.constant 0 : i32
        %dma_wait3A_271 = tpu.memref_slice %arg5[%mul3A_2, %dma_wait3A_270] : memref<819200x128xf32, #tpu.memory_space<hbm>> -> memref<128x128xf32, #tpu.memory_space<hbm>>
        tpu.wait_dma2 semaphore(%arg18 : memref<!tpu.dma_semaphore, #tpu.memory_space<semaphore_mem>>) src(%arg7 : memref<128x128xf32, #tpu.memory_space<vmem>>) dst(%dma_wait3A_271 : memref<128x128xf32, #tpu.memory_space<hbm>>)
      } else {
      }
      %add3A_144 = arith.constant 4 : i32
      %add3A_145 = arith.addi %add3A_113, %add3A_144 : i32
      %lt3A_146 = arith.constant 200 : i32
      %lt3A_147 = arith.cmpi slt, %add3A_145, %lt3A_146 : i32
      %convert_element_type3A_148 = arith.extui %lt3A_147 : i1 to i32
      %cond3A_149 = arith.constant 0 : i32
      %cond3A_150 = arith.cmpi ne, %convert_element_type3A_148, %cond3A_149 : i32
      scf.if %cond3A_150 {
        %add3A_268 = arith.constant 4 : i32
        %add3A_269 = arith.addi %add3A_113, %add3A_268 : i32
        %mul3A_270 = arith.constant 128 : i32
        %mul3A_271 = arith.muli %add3A_269, %mul3A_270 : i32
        %rem3A_272 = arith.constant 200 : i32
        %rem3A_273 = arith.remsi %mul3A_271, %rem3A_272 : i32
        %dma_start3A_274 = arith.constant 0 : i32
        %dma_start3A_275 = tpu.memref_slice %arg12[%rem3A_273, %dma_start3A_274] : memref<328x128xf32, #tpu.memory_space<vmem_shared>> -> memref<128x128xf32, #tpu.memory_space<vmem_shared>>
        %dma_start3A_276 = arith.constant 0 : i32
        %dma_start3A_277 = tpu.memref_slice %arg12[%rem3A_273, %dma_start3A_276] : memref<328x128xf32, #tpu.memory_space<vmem_shared>> -> memref<128x128xf32, #tpu.memory_space<vmem_shared>>
        tpu.enqueue_dma source(%dma_start3A_277 : memref<128x128xf32, #tpu.memory_space<vmem_shared>>) target(%arg7 : memref<128x128xf32, #tpu.memory_space<vmem>>) target_semaphore(%arg23 : memref<!tpu.dma_semaphore, #tpu.memory_space<semaphore_mem>>)
      } else {
      }
      %add3A_151 = arith.constant 2 : i32
      %add3A_152 = arith.addi %add3A_75, %add3A_151 : i32
      %dma_wait3A_153 = arith.constant 0 : i32
      %dma_wait3A_154 = tpu.memref_slice %arg6[%dma_wait3A_153] : memref<25600xi32, #tpu.memory_space<vmem>> -> memref<128xi32, #tpu.memory_space<vmem>>
      %dma_wait3A_155 = arith.constant 0 : i32
      %dma_wait3A_156 = arith.constant 0 : i32
      %dma_wait3A_157 = tpu.memref_slice %arg3[%dma_wait3A_155, %dma_wait3A_156] : memref<100000x128xf32, #tpu.memory_space<hbm>> -> memref<100000x128xf32, #tpu.memory_space<hbm>>
      tpu.wait_indirect_dma semaphore(%arg15 : memref<!tpu.dma_semaphore, #tpu.memory_space<semaphore_mem>>) src(%dma_wait3A_157 : memref<100000x128xf32, #tpu.memory_space<hbm>>) dst(%arg9 : memref<128x128xf32, #tpu.memory_space<vmem>>)
      %mul3A_158 = arith.constant 128 : i32
      %mul3A_159 = arith.muli %add3A_152, %mul3A_158 : i32
      %add3A_160 = arith.addi %mul3A_2, %mul3A_159 : i32
      %dma_start3A_161 = arith.constant 0 : i32
      %dma_start3A_162 = tpu.memref_slice %arg5[%add3A_160, %dma_start3A_161] : memref<819200x128xf32, #tpu.memory_space<hbm>> -> memref<128x128xf32, #tpu.memory_space<hbm>>
      %dma_start3A_163 = arith.constant 0 : i32
      %dma_start3A_164 = tpu.memref_slice %arg5[%add3A_160, %dma_start3A_163] : memref<819200x128xf32, #tpu.memory_space<hbm>> -> memref<128x128xf32, #tpu.memory_space<hbm>>
      tpu.enqueue_dma source(%arg9 : memref<128x128xf32, #tpu.memory_space<vmem>>) target(%dma_start3A_164 : memref<128x128xf32, #tpu.memory_space<hbm>>) target_semaphore(%arg20 : memref<!tpu.dma_semaphore, #tpu.memory_space<semaphore_mem>>)
      %add3A_165 = arith.constant 4 : i32
      %add3A_166 = arith.addi %add3A_152, %add3A_165 : i32
      %sub3A_167 = arith.constant 1 : i32
      %sub3A_168 = arith.subi %add3A_166, %sub3A_167 : i32
      %lt3A_169 = arith.constant 200 : i32
      %lt3A_170 = arith.cmpi slt, %sub3A_168, %lt3A_169 : i32
      %convert_element_type3A_171 = arith.extui %lt3A_170 : i1 to i32
      %cond3A_172 = arith.constant 0 : i32
      %cond3A_173 = arith.cmpi ne, %convert_element_type3A_171, %cond3A_172 : i32
      scf.if %cond3A_173 {
        %add3A_268 = arith.constant 4 : i32
        %add3A_269 = arith.addi %add3A_152, %add3A_268 : i32
        %sub3A_270 = arith.constant 1 : i32
        %sub3A_271 = arith.subi %add3A_269, %sub3A_270 : i32
        %dma_wait3A_272 = arith.constant 0 : i32
        %dma_wait3A_273 = arith.constant 0 : i32
        %dma_wait3A_274 = tpu.memref_slice %arg12[%dma_wait3A_272, %dma_wait3A_273] : memref<328x128xf32, #tpu.memory_space<vmem_shared>> -> memref<128x128xf32, #tpu.memory_space<vmem_shared>>
        %dma_wait3A_275 = arith.constant 0 : i32
        %dma_wait3A_276 = arith.constant 0 : i32
        %dma_wait3A_277 = tpu.memref_slice %arg12[%dma_wait3A_275, %dma_wait3A_276] : memref<328x128xf32, #tpu.memory_space<vmem_shared>> -> memref<128x128xf32, #tpu.memory_space<vmem_shared>>
        tpu.wait_dma2 semaphore(%arg23 : memref<!tpu.dma_semaphore, #tpu.memory_space<semaphore_mem>>) src(%dma_wait3A_277 : memref<128x128xf32, #tpu.memory_space<vmem_shared>>) dst(%arg7 : memref<128x128xf32, #tpu.memory_space<vmem>>)
        %mul3A_278 = arith.constant 128 : i32
        %mul3A_279 = arith.muli %sub3A_271, %mul3A_278 : i32
        %dma_start3A_280 = tpu.memref_slice %arg6[%mul3A_279] : memref<25600xi32, #tpu.memory_space<vmem>> -> memref<128xi32, #tpu.memory_space<vmem>>
        %dma_start3A_281 = arith.constant 0 : i32
        %dma_start3A_282 = arith.constant 0 : i32
        %dma_start3A_283 = tpu.memref_slice %arg3[%dma_start3A_281, %dma_start3A_282] : memref<100000x128xf32, #tpu.memory_space<hbm>> -> memref<100000x128xf32, #tpu.memory_space<hbm>>
        tpu.enqueue_indirect_dma source(%dma_start3A_283 : memref<100000x128xf32, #tpu.memory_space<hbm>>) target(%arg7 : memref<128x128xf32, #tpu.memory_space<vmem>>) offsets(%dma_start3A_280 : memref<128xi32, #tpu.memory_space<vmem>>) semaphore(%arg13 : memref<!tpu.dma_semaphore, #tpu.memory_space<semaphore_mem>>) {add = true}
      } else {
      }
      %add3A_174 = arith.constant 4 : i32
      %add3A_175 = arith.addi %add3A_152, %add3A_174 : i32
      %sub3A_176 = arith.constant 5 : i32
      %sub3A_177 = arith.subi %add3A_175, %sub3A_176 : i32
      %ge3A_178 = arith.constant 0 : i32
      %ge3A_179 = arith.cmpi sge, %sub3A_177, %ge3A_178 : i32
      %convert_element_type3A_180 = arith.extui %ge3A_179 : i1 to i32
      %cond3A_181 = arith.constant 0 : i32
      %cond3A_182 = arith.cmpi ne, %convert_element_type3A_180, %cond3A_181 : i32
      scf.if %cond3A_182 {
        %dma_wait3A_268 = arith.constant 0 : i32
        %dma_wait3A_269 = tpu.memref_slice %arg5[%mul3A_2, %dma_wait3A_268] : memref<819200x128xf32, #tpu.memory_space<hbm>> -> memref<128x128xf32, #tpu.memory_space<hbm>>
        %dma_wait3A_270 = arith.constant 0 : i32
        %dma_wait3A_271 = tpu.memref_slice %arg5[%mul3A_2, %dma_wait3A_270] : memref<819200x128xf32, #tpu.memory_space<hbm>> -> memref<128x128xf32, #tpu.memory_space<hbm>>
        tpu.wait_dma2 semaphore(%arg19 : memref<!tpu.dma_semaphore, #tpu.memory_space<semaphore_mem>>) src(%arg8 : memref<128x128xf32, #tpu.memory_space<vmem>>) dst(%dma_wait3A_271 : memref<128x128xf32, #tpu.memory_space<hbm>>)
      } else {
      }
      %add3A_183 = arith.constant 4 : i32
      %add3A_184 = arith.addi %add3A_152, %add3A_183 : i32
      %lt3A_185 = arith.constant 200 : i32
      %lt3A_186 = arith.cmpi slt, %add3A_184, %lt3A_185 : i32
      %convert_element_type3A_187 = arith.extui %lt3A_186 : i1 to i32
      %cond3A_188 = arith.constant 0 : i32
      %cond3A_189 = arith.cmpi ne, %convert_element_type3A_187, %cond3A_188 : i32
      scf.if %cond3A_189 {
        %add3A_268 = arith.constant 4 : i32
        %add3A_269 = arith.addi %add3A_152, %add3A_268 : i32
        %mul3A_270 = arith.constant 128 : i32
        %mul3A_271 = arith.muli %add3A_269, %mul3A_270 : i32
        %rem3A_272 = arith.constant 200 : i32
        %rem3A_273 = arith.remsi %mul3A_271, %rem3A_272 : i32
        %dma_start3A_274 = arith.constant 0 : i32
        %dma_start3A_275 = tpu.memref_slice %arg12[%rem3A_273, %dma_start3A_274] : memref<328x128xf32, #tpu.memory_space<vmem_shared>> -> memref<128x128xf32, #tpu.memory_space<vmem_shared>>
        %dma_start3A_276 = arith.constant 0 : i32
        %dma_start3A_277 = tpu.memref_slice %arg12[%rem3A_273, %dma_start3A_276] : memref<328x128xf32, #tpu.memory_space<vmem_shared>> -> memref<128x128xf32, #tpu.memory_space<vmem_shared>>
        tpu.enqueue_dma source(%dma_start3A_277 : memref<128x128xf32, #tpu.memory_space<vmem_shared>>) target(%arg8 : memref<128x128xf32, #tpu.memory_space<vmem>>) target_semaphore(%arg24 : memref<!tpu.dma_semaphore, #tpu.memory_space<semaphore_mem>>)
      } else {
      }
      %add3A_190 = arith.constant 3 : i32
      %add3A_191 = arith.addi %add3A_75, %add3A_190 : i32
      %dma_wait3A_192 = arith.constant 0 : i32
      %dma_wait3A_193 = tpu.memref_slice %arg6[%dma_wait3A_192] : memref<25600xi32, #tpu.memory_space<vmem>> -> memref<128xi32, #tpu.memory_space<vmem>>
      %dma_wait3A_194 = arith.constant 0 : i32
      %dma_wait3A_195 = arith.constant 0 : i32
      %dma_wait3A_196 = tpu.memref_slice %arg3[%dma_wait3A_194, %dma_wait3A_195] : memref<100000x128xf32, #tpu.memory_space<hbm>> -> memref<100000x128xf32, #tpu.memory_space<hbm>>
      tpu.wait_indirect_dma semaphore(%arg16 : memref<!tpu.dma_semaphore, #tpu.memory_space<semaphore_mem>>) src(%dma_wait3A_196 : memref<100000x128xf32, #tpu.memory_space<hbm>>) dst(%arg10 : memref<128x128xf32, #tpu.memory_space<vmem>>)
      %mul3A_197 = arith.constant 128 : i32
      %mul3A_198 = arith.muli %add3A_191, %mul3A_197 : i32
      %add3A_199 = arith.addi %mul3A_2, %mul3A_198 : i32
      %dma_start3A_200 = arith.constant 0 : i32
      %dma_start3A_201 = tpu.memref_slice %arg5[%add3A_199, %dma_start3A_200] : memref<819200x128xf32, #tpu.memory_space<hbm>> -> memref<128x128xf32, #tpu.memory_space<hbm>>
      %dma_start3A_202 = arith.constant 0 : i32
      %dma_start3A_203 = tpu.memref_slice %arg5[%add3A_199, %dma_start3A_202] : memref<819200x128xf32, #tpu.memory_space<hbm>> -> memref<128x128xf32, #tpu.memory_space<hbm>>
      tpu.enqueue_dma source(%arg10 : memref<128x128xf32, #tpu.memory_space<vmem>>) target(%dma_start3A_203 : memref<128x128xf32, #tpu.memory_space<hbm>>) target_semaphore(%arg21 : memref<!tpu.dma_semaphore, #tpu.memory_space<semaphore_mem>>)
      %add3A_204 = arith.constant 4 : i32
      %add3A_205 = arith.addi %add3A_191, %add3A_204 : i32
      %sub3A_206 = arith.constant 1 : i32
      %sub3A_207 = arith.subi %add3A_205, %sub3A_206 : i32
      %lt3A_208 = arith.constant 200 : i32
      %lt3A_209 = arith.cmpi slt, %sub3A_207, %lt3A_208 : i32
      %convert_element_type3A_210 = arith.extui %lt3A_209 : i1 to i32
      %cond3A_211 = arith.constant 0 : i32
      %cond3A_212 = arith.cmpi ne, %convert_element_type3A_210, %cond3A_211 : i32
      scf.if %cond3A_212 {
        %add3A_268 = arith.constant 4 : i32
        %add3A_269 = arith.addi %add3A_191, %add3A_268 : i32
        %sub3A_270 = arith.constant 1 : i32
        %sub3A_271 = arith.subi %add3A_269, %sub3A_270 : i32
        %dma_wait3A_272 = arith.constant 0 : i32
        %dma_wait3A_273 = arith.constant 0 : i32
        %dma_wait3A_274 = tpu.memref_slice %arg12[%dma_wait3A_272, %dma_wait3A_273] : memref<328x128xf32, #tpu.memory_space<vmem_shared>> -> memref<128x128xf32, #tpu.memory_space<vmem_shared>>
        %dma_wait3A_275 = arith.constant 0 : i32
        %dma_wait3A_276 = arith.constant 0 : i32
        %dma_wait3A_277 = tpu.memref_slice %arg12[%dma_wait3A_275, %dma_wait3A_276] : memref<328x128xf32, #tpu.memory_space<vmem_shared>> -> memref<128x128xf32, #tpu.memory_space<vmem_shared>>
        tpu.wait_dma2 semaphore(%arg24 : memref<!tpu.dma_semaphore, #tpu.memory_space<semaphore_mem>>) src(%dma_wait3A_277 : memref<128x128xf32, #tpu.memory_space<vmem_shared>>) dst(%arg8 : memref<128x128xf32, #tpu.memory_space<vmem>>)
        %mul3A_278 = arith.constant 128 : i32
        %mul3A_279 = arith.muli %sub3A_271, %mul3A_278 : i32
        %dma_start3A_280 = tpu.memref_slice %arg6[%mul3A_279] : memref<25600xi32, #tpu.memory_space<vmem>> -> memref<128xi32, #tpu.memory_space<vmem>>
        %dma_start3A_281 = arith.constant 0 : i32
        %dma_start3A_282 = arith.constant 0 : i32
        %dma_start3A_283 = tpu.memref_slice %arg3[%dma_start3A_281, %dma_start3A_282] : memref<100000x128xf32, #tpu.memory_space<hbm>> -> memref<100000x128xf32, #tpu.memory_space<hbm>>
        tpu.enqueue_indirect_dma source(%dma_start3A_283 : memref<100000x128xf32, #tpu.memory_space<hbm>>) target(%arg8 : memref<128x128xf32, #tpu.memory_space<vmem>>) offsets(%dma_start3A_280 : memref<128xi32, #tpu.memory_space<vmem>>) semaphore(%arg14 : memref<!tpu.dma_semaphore, #tpu.memory_space<semaphore_mem>>) {add = true}
      } else {
      }
      %add3A_213 = arith.constant 4 : i32
      %add3A_214 = arith.addi %add3A_191, %add3A_213 : i32
      %sub3A_215 = arith.constant 5 : i32
      %sub3A_216 = arith.subi %add3A_214, %sub3A_215 : i32
      %ge3A_217 = arith.constant 0 : i32
      %ge3A_218 = arith.cmpi sge, %sub3A_216, %ge3A_217 : i32
      %convert_element_type3A_219 = arith.extui %ge3A_218 : i1 to i32
      %cond3A_220 = arith.constant 0 : i32
      %cond3A_221 = arith.cmpi ne, %convert_element_type3A_219, %cond3A_220 : i32
      scf.if %cond3A_221 {
        %dma_wait3A_268 = arith.constant 0 : i32
        %dma_wait3A_269 = tpu.memref_slice %arg5[%mul3A_2, %dma_wait3A_268] : memref<819200x128xf32, #tpu.memory_space<hbm>> -> memref<128x128xf32, #tpu.memory_space<hbm>>
        %dma_wait3A_270 = arith.constant 0 : i32
        %dma_wait3A_271 = tpu.memref_slice %arg5[%mul3A_2, %dma_wait3A_270] : memref<819200x128xf32, #tpu.memory_space<hbm>> -> memref<128x128xf32, #tpu.memory_space<hbm>>
        tpu.wait_dma2 semaphore(%arg20 : memref<!tpu.dma_semaphore, #tpu.memory_space<semaphore_mem>>) src(%arg9 : memref<128x128xf32, #tpu.memory_space<vmem>>) dst(%dma_wait3A_271 : memref<128x128xf32, #tpu.memory_space<hbm>>)
      } else {
      }
      %add3A_222 = arith.constant 4 : i32
      %add3A_223 = arith.addi %add3A_191, %add3A_222 : i32
      %lt3A_224 = arith.constant 200 : i32
      %lt3A_225 = arith.cmpi slt, %add3A_223, %lt3A_224 : i32
      %convert_element_type3A_226 = arith.extui %lt3A_225 : i1 to i32
      %cond3A_227 = arith.constant 0 : i32
      %cond3A_228 = arith.cmpi ne, %convert_element_type3A_226, %cond3A_227 : i32
      scf.if %cond3A_228 {
        %add3A_268 = arith.constant 4 : i32
        %add3A_269 = arith.addi %add3A_191, %add3A_268 : i32
        %mul3A_270 = arith.constant 128 : i32
        %mul3A_271 = arith.muli %add3A_269, %mul3A_270 : i32
        %rem3A_272 = arith.constant 200 : i32
        %rem3A_273 = arith.remsi %mul3A_271, %rem3A_272 : i32
        %dma_start3A_274 = arith.constant 0 : i32
        %dma_start3A_275 = tpu.memref_slice %arg12[%rem3A_273, %dma_start3A_274] : memref<328x128xf32, #tpu.memory_space<vmem_shared>> -> memref<128x128xf32, #tpu.memory_space<vmem_shared>>
        %dma_start3A_276 = arith.constant 0 : i32
        %dma_start3A_277 = tpu.memref_slice %arg12[%rem3A_273, %dma_start3A_276] : memref<328x128xf32, #tpu.memory_space<vmem_shared>> -> memref<128x128xf32, #tpu.memory_space<vmem_shared>>
        tpu.enqueue_dma source(%dma_start3A_277 : memref<128x128xf32, #tpu.memory_space<vmem_shared>>) target(%arg9 : memref<128x128xf32, #tpu.memory_space<vmem>>) target_semaphore(%arg25 : memref<!tpu.dma_semaphore, #tpu.memory_space<semaphore_mem>>)
      } else {
      }
      %add3A_229 = arith.constant 4 : i32
      %add3A_230 = arith.addi %add3A_75, %add3A_229 : i32
      %dma_wait3A_231 = arith.constant 0 : i32
      %dma_wait3A_232 = tpu.memref_slice %arg6[%dma_wait3A_231] : memref<25600xi32, #tpu.memory_space<vmem>> -> memref<128xi32, #tpu.memory_space<vmem>>
      %dma_wait3A_233 = arith.constant 0 : i32
      %dma_wait3A_234 = arith.constant 0 : i32
      %dma_wait3A_235 = tpu.memref_slice %arg3[%dma_wait3A_233, %dma_wait3A_234] : memref<100000x128xf32, #tpu.memory_space<hbm>> -> memref<100000x128xf32, #tpu.memory_space<hbm>>
      tpu.wait_indirect_dma semaphore(%arg17 : memref<!tpu.dma_semaphore, #tpu.memory_space<semaphore_mem>>) src(%dma_wait3A_235 : memref<100000x128xf32, #tpu.memory_space<hbm>>) dst(%arg11 : memref<128x128xf32, #tpu.memory_space<vmem>>)
      %mul3A_236 = arith.constant 128 : i32
      %mul3A_237 = arith.muli %add3A_230, %mul3A_236 : i32
      %add3A_238 = arith.addi %mul3A_2, %mul3A_237 : i32
      %dma_start3A_239 = arith.constant 0 : i32
      %dma_start3A_240 = tpu.memref_slice %arg5[%add3A_238, %dma_start3A_239] : memref<819200x128xf32, #tpu.memory_space<hbm>> -> memref<128x128xf32, #tpu.memory_space<hbm>>
      %dma_start3A_241 = arith.constant 0 : i32
      %dma_start3A_242 = tpu.memref_slice %arg5[%add3A_238, %dma_start3A_241] : memref<819200x128xf32, #tpu.memory_space<hbm>> -> memref<128x128xf32, #tpu.memory_space<hbm>>
      tpu.enqueue_dma source(%arg11 : memref<128x128xf32, #tpu.memory_space<vmem>>) target(%dma_start3A_242 : memref<128x128xf32, #tpu.memory_space<hbm>>) target_semaphore(%arg22 : memref<!tpu.dma_semaphore, #tpu.memory_space<semaphore_mem>>)
      %add3A_243 = arith.constant 4 : i32
      %add3A_244 = arith.addi %add3A_230, %add3A_243 : i32
      %sub3A_245 = arith.constant 1 : i32
      %sub3A_246 = arith.subi %add3A_244, %sub3A_245 : i32
      %lt3A_247 = arith.constant 200 : i32
      %lt3A_248 = arith.cmpi slt, %sub3A_246, %lt3A_247 : i32
      %convert_element_type3A_249 = arith.extui %lt3A_248 : i1 to i32
      %cond3A_250 = arith.constant 0 : i32
      %cond3A_251 = arith.cmpi ne, %convert_element_type3A_249, %cond3A_250 : i32
      scf.if %cond3A_251 {
        %add3A_268 = arith.constant 4 : i32
        %add3A_269 = arith.addi %add3A_230, %add3A_268 : i32
        %sub3A_270 = arith.constant 1 : i32
        %sub3A_271 = arith.subi %add3A_269, %sub3A_270 : i32
        %dma_wait3A_272 = arith.constant 0 : i32
        %dma_wait3A_273 = arith.constant 0 : i32
        %dma_wait3A_274 = tpu.memref_slice %arg12[%dma_wait3A_272, %dma_wait3A_273] : memref<328x128xf32, #tpu.memory_space<vmem_shared>> -> memref<128x128xf32, #tpu.memory_space<vmem_shared>>
        %dma_wait3A_275 = arith.constant 0 : i32
        %dma_wait3A_276 = arith.constant 0 : i32
        %dma_wait3A_277 = tpu.memref_slice %arg12[%dma_wait3A_275, %dma_wait3A_276] : memref<328x128xf32, #tpu.memory_space<vmem_shared>> -> memref<128x128xf32, #tpu.memory_space<vmem_shared>>
        tpu.wait_dma2 semaphore(%arg25 : memref<!tpu.dma_semaphore, #tpu.memory_space<semaphore_mem>>) src(%dma_wait3A_277 : memref<128x128xf32, #tpu.memory_space<vmem_shared>>) dst(%arg9 : memref<128x128xf32, #tpu.memory_space<vmem>>)
        %mul3A_278 = arith.constant 128 : i32
        %mul3A_279 = arith.muli %sub3A_271, %mul3A_278 : i32
        %dma_start3A_280 = tpu.memref_slice %arg6[%mul3A_279] : memref<25600xi32, #tpu.memory_space<vmem>> -> memref<128xi32, #tpu.memory_space<vmem>>
        %dma_start3A_281 = arith.constant 0 : i32
        %dma_start3A_282 = arith.constant 0 : i32
        %dma_start3A_283 = tpu.memref_slice %arg3[%dma_start3A_281, %dma_start3A_282] : memref<100000x128xf32, #tpu.memory_space<hbm>> -> memref<100000x128xf32, #tpu.memory_space<hbm>>
        tpu.enqueue_indirect_dma source(%dma_start3A_283 : memref<100000x128xf32, #tpu.memory_space<hbm>>) target(%arg9 : memref<128x128xf32, #tpu.memory_space<vmem>>) offsets(%dma_start3A_280 : memref<128xi32, #tpu.memory_space<vmem>>) semaphore(%arg15 : memref<!tpu.dma_semaphore, #tpu.memory_space<semaphore_mem>>) {add = true}
      } else {
      }
      %add3A_252 = arith.constant 4 : i32
      %add3A_253 = arith.addi %add3A_230, %add3A_252 : i32
      %sub3A_254 = arith.constant 5 : i32
      %sub3A_255 = arith.subi %add3A_253, %sub3A_254 : i32
      %ge3A_256 = arith.constant 0 : i32
      %ge3A_257 = arith.cmpi sge, %sub3A_255, %ge3A_256 : i32
      %convert_element_type3A_258 = arith.extui %ge3A_257 : i1 to i32
      %cond3A_259 = arith.constant 0 : i32
      %cond3A_260 = arith.cmpi ne, %convert_element_type3A_258, %cond3A_259 : i32
      scf.if %cond3A_260 {
        %dma_wait3A_268 = arith.constant 0 : i32
        %dma_wait3A_269 = tpu.memref_slice %arg5[%mul3A_2, %dma_wait3A_268] : memref<819200x128xf32, #tpu.memory_space<hbm>> -> memref<128x128xf32, #tpu.memory_space<hbm>>
        %dma_wait3A_270 = arith.constant 0 : i32
        %dma_wait3A_271 = tpu.memref_slice %arg5[%mul3A_2, %dma_wait3A_270] : memref<819200x128xf32, #tpu.memory_space<hbm>> -> memref<128x128xf32, #tpu.memory_space<hbm>>
        tpu.wait_dma2 semaphore(%arg21 : memref<!tpu.dma_semaphore, #tpu.memory_space<semaphore_mem>>) src(%arg10 : memref<128x128xf32, #tpu.memory_space<vmem>>) dst(%dma_wait3A_271 : memref<128x128xf32, #tpu.memory_space<hbm>>)
      } else {
      }
      %add3A_261 = arith.constant 4 : i32
      %add3A_262 = arith.addi %add3A_230, %add3A_261 : i32
      %lt3A_263 = arith.constant 200 : i32
      %lt3A_264 = arith.cmpi slt, %add3A_262, %lt3A_263 : i32
      %convert_element_type3A_265 = arith.extui %lt3A_264 : i1 to i32
      %cond3A_266 = arith.constant 0 : i32
      %cond3A_267 = arith.cmpi ne, %convert_element_type3A_265, %cond3A_266 : i32
      scf.if %cond3A_267 {
        %add3A_268 = arith.constant 4 : i32
        %add3A_269 = arith.addi %add3A_230, %add3A_268 : i32
        %mul3A_270 = arith.constant 128 : i32
        %mul3A_271 = arith.muli %add3A_269, %mul3A_270 : i32
        %rem3A_272 = arith.constant 200 : i32
        %rem3A_273 = arith.remsi %mul3A_271, %rem3A_272 : i32
        %dma_start3A_274 = arith.constant 0 : i32
        %dma_start3A_275 = tpu.memref_slice %arg12[%rem3A_273, %dma_start3A_274] : memref<328x128xf32, #tpu.memory_space<vmem_shared>> -> memref<128x128xf32, #tpu.memory_space<vmem_shared>>
        %dma_start3A_276 = arith.constant 0 : i32
        %dma_start3A_277 = tpu.memref_slice %arg12[%rem3A_273, %dma_start3A_276] : memref<328x128xf32, #tpu.memory_space<vmem_shared>> -> memref<128x128xf32, #tpu.memory_space<vmem_shared>>
        tpu.enqueue_dma source(%dma_start3A_277 : memref<128x128xf32, #tpu.memory_space<vmem_shared>>) target(%arg10 : memref<128x128xf32, #tpu.memory_space<vmem>>) target_semaphore(%arg26 : memref<!tpu.dma_semaphore, #tpu.memory_space<semaphore_mem>>)
      } else {
      }
    }
    %scan3A_66 = arith.constant 40 : i32
    %dma_wait3A_67 = arith.constant 0 : i32
    %dma_wait3A_68 = tpu.memref_slice %arg5[%mul3A_2, %dma_wait3A_67] : memref<819200x128xf32, #tpu.memory_space<hbm>> -> memref<128x128xf32, #tpu.memory_space<hbm>>
    %dma_wait3A_69 = arith.constant 0 : i32
    %dma_wait3A_70 = tpu.memref_slice %arg5[%mul3A_2, %dma_wait3A_69] : memref<819200x128xf32, #tpu.memory_space<hbm>> -> memref<128x128xf32, #tpu.memory_space<hbm>>
    tpu.wait_dma2 semaphore(%arg22 : memref<!tpu.dma_semaphore, #tpu.memory_space<semaphore_mem>>) src(%arg11 : memref<128x128xf32, #tpu.memory_space<vmem>>) dst(%dma_wait3A_70 : memref<128x128xf32, #tpu.memory_space<hbm>>)
    return
  }
}

</mosaic_0001>

<sc_bundles>
// kernel: kernel.3.cloned.1.call-start
scs
__scs_entry_jumppad:
0x0: {  	(pc) =	sbr.rel $0x88, $3  }
0x1: {  	(tag) =	ssettag $0x0;
	lr =	simm.s32 $0x1  }
0x2: {  	[smem:$0x3F9E] =	sst lr;
	_ =	strace $0xD0000000  }
0x3: {  	_ = 	snop  }
0x4: {  	_ = 	snop  }
0x5: {  	_ = 	snop  }
0x6: {  	_ = 	snop  }
0x7: {  	_ = 	snop  }
__scs_overlays_trampoline_lowered:
0x8: {  	[smem:$0x3FAD] =	sst s0  }
0x9: {  	[smem:$0x3FAE] =	sst s1  }
0xa: {  	[smem:$0x3FAF] =	sst s2  }
0xb: {  	[smem:$0x3FB0] =	sst s3  }
0xc: {  	[smem:$0x3FB1] =	sst s4  }
0xd: {  	[smem:$0x3FB2] =	sst s5  }
0xe: {  	[smem:$0x3FB3] =	sst s6  }
0xf: {  	[smem:$0x3FB4] =	sst s7  }
0x10: {  	[smem:$0x3FB5] =	sst s8  }
0x11: {  	[smem:$0x3FB6] =	sst s9;
	s0 =	simm.s32 @!p0 $0x0  }
0x12: {  	s1 =	sld [smem:$0x3F9C];
	s0 =	simm.s32 @p0 $0x1  }
0x13: {  	[smem:$0x3FB7] =	sst s0;
	s0 =	simm.s32 @!p1 $0x0  }
0x14: {  	s2 =	sld [smem:$0x3F9B];
	s0 =	simm.s32 @p1 $0x1  }
0x15: {  	[smem:$0x3FB8] =	sst s0;
	s0 =	simm.s32 @!p2 $0x0  }
0x16: {  	s3 =	sld [smem:$0x3FDB];
	s0 =	simm.s32 @p2 $0x1  }
0x17: {  	s4 =	simm.s32 $0x1BF5;
	[smem:$0x3FBA] =	sst s0  }
0x18: {  	s0 =	sld [smem:$0x3F9D];
	_ =	swait.ge [sflag:s4], $0x0  }
0x19: {  	s7 =	sld [smem:$0x3F9E]  }
0x1a: {  	s8 =	sadd.s32 $0xFFFFE003, lr  }
0x1b: {  	s9 =	sadd.s32 $0xFFFFFEF7, lr;
	s5 =	simm.s32 $0xFFFFFFFF;
	p2 =	slt.u32 s8, $0xFFFFF086  }
0x1c: {  	p1 =	slt.u32 s9, $0xF7A;
	s5 =	simm.s32 @!p2 $0x0  }
0x1d: {  	s5 =	simm.s32 @p1 $0x1;
	p0 =	seq.s32 s7, s2  }
0x1e: {  	s7 =	smul.u32 @!p0 $0xF7A, s2;
	p2 =	seq.s32 @!p0 s5, $0x0  }
0x1f: {  	s9 =	smul.u32 $0xF7A, s1;
	s8 =	simm.s32 @!p0 $0x1BF5;
	p2 =	por !p2, p0  }
0x20: {  	[sflag:s8] =	ssyncset.s32 @!p0 $0xFFFFF086;
	s6 =	sadd.s32 @!p0 s3, s7;
	s7 =	simm.s32 @!p0 $0x108  }
0x21: {  	s3 =	sadd.s32 s3, s9;
	s6 =	sadd.s32 @!p0 $0x88, s6;
	s7 =	simm.s32 @p2 $0x1082  }
0x22: {  	[simem:s7], [sflag:s8] =	dma.local @!p0 [hbm:s6], $0xF7A  }
0x23: {  	s9 =	sor.u32 $0xD0000000, s2;
	s6 =	simm.s32 $0x108;
	_ =	swait.ge @!p0 [sflag:s8], $0x0  }
0x24: {  	s3 =	sadd.s32 $0x88, s3;
	s6 =	simm.s32 @!p1 $0x1082;
	[sflag:s4] =	ssyncset.s32 $0xFFFFF086  }
0x25: {  	[simem:s6], [sflag:s4] =	dma.local [hbm:s3], $0xF7A  }
0x26: {  	[smem:$0x3F9E] =	sst s1;
	(tag) =	ssettag s2;
	_ =	strace s9  }
0x27: {  	s1 =	sld [smem:$0x3FAE]  }
0x28: {  	s2 =	sld [smem:$0x3FAF]  }
0x29: {  	s4 =	sld [smem:$0x3FB1]  }
0x2a: {  	p0 =	seq.s32 s5, $0x0;
	s5 =	sld [smem:$0x3FB2]  }
0x2b: {  	s6 =	sld [smem:$0x3FB3]  }
0x2c: {  	s7 =	sld [smem:$0x3FB4]  }
0x2d: {  	s3 =	simm.s32 $0x108;
	s8 =	sld [smem:$0x3FB5]  }
0x2e: {  	s3 =	simm.s32 @!p0 $0x1082;
	s9 =	sld [smem:$0x3FB6]  }
0x2f: {  	lr =	sadd.s32 s0, s3;
	s0 =	sld [smem:$0x3FAD]  }
0x30: {  	s3 =	sld [smem:$0x3FB0]  }
0x31: {  	[smem:$0x3FB9] =	sst s10  }
0x32: {  	s10 =	sld [smem:$0x3FB7];
	_ =	sdelay $0x3  }
0x33: {  	p0 =	seq.s32 s10, $0x1;
	s10 =	sld [smem:$0x3FB9];
	_ =	sdelay $0x3  }
0x34: {  	[smem:$0x3FB9] =	sst s10  }
0x35: {  	s10 =	sld [smem:$0x3FB8];
	_ =	sdelay $0x3  }
0x36: {  	p1 =	seq.s32 s10, $0x1;
	s10 =	sld [smem:$0x3FB9];
	_ =	sdelay $0x3  }
0x37: {  	[smem:$0x3FB9] =	sst s10  }
0x38: {  	s10 =	sld [smem:$0x3FBA]  }
0x39: {  	_ = 	snop;
	(pc) =	sbr.ind lr, $3  }
0x3a: {  	_ = 	snop  }
0x3b: {  	_ = 	snop  }
0x3c: {  	p2 =	seq.s32 s10, $0x1;
	s10 =	sld [smem:$0x3FB9]  }
0x3d: {  	_ =	shalt  }
0x3e: {  	_ =	shalt  }
0x3f: {  	_ =	shalt  }
0x40: {  	_ =	shalt  }
0x41: {  	_ =	shalt  }
0x42: {  	_ =	shalt  }
0x43: {  	_ =	shalt  }
0x44: {  	_ =	shalt  }
0x45: {  	_ =	shalt  }
0x46: {  	_ =	shalt  }
0x47: {  	_ =	shalt  }
0x48: {  	_ =	shalt  }
0x49: {  	_ =	shalt  }
0x4a: {  	_ =	shalt  }
0x4b: {  	_ =	shalt  }
0x4c: {  	_ =	shalt  }
0x4d: {  	_ =	shalt  }
0x4e: {  	_ =	shalt  }
0x4f: {  	_ =	shalt  }
0x50: {  	_ =	shalt  }
0x51: {  	_ =	shalt  }
0x52: {  	_ =	shalt  }
0x53: {  	_ =	shalt  }
0x54: {  	_ =	shalt  }
0x55: {  	_ =	shalt  }
0x56: {  	_ =	shalt  }
0x57: {  	_ =	shalt  }
0x58: {  	_ =	shalt  }
0x59: {  	_ =	shalt  }
0x5a: {  	_ =	shalt  }
0x5b: {  	_ =	shalt  }
0x5c: {  	_ =	shalt  }
0x5d: {  	_ =	shalt  }
0x5e: {  	_ =	shalt  }
0x5f: {  	_ =	shalt  }
0x60: {  	_ =	shalt  }
0x61: {  	_ =	shalt  }
0x62: {  	_ =	shalt  }
0x63: {  	_ =	shalt  }
0x64: {  	_ =	shalt  }
0x65: {  	_ =	shalt  }
0x66: {  	_ =	shalt  }
0x67: {  	_ =	shalt  }
0x68: {  	_ =	shalt  }
0x69: {  	_ =	shalt  }
0x6a: {  	_ =	shalt  }
0x6b: {  	_ =	shalt  }
0x6c: {  	_ =	shalt  }
0x6d: {  	_ =	shalt  }
0x6e: {  	_ =	shalt  }
0x6f: {  	_ =	shalt  }
0x70: {  	_ =	shalt  }
0x71: {  	_ =	shalt  }
0x72: {  	_ =	shalt  }
0x73: {  	_ =	shalt  }
0x74: {  	_ =	shalt  }
0x75: {  	_ =	shalt  }
0x76: {  	_ =	shalt  }
0x77: {  	_ =	shalt  }
0x78: {  	_ =	shalt  }
0x79: {  	_ =	shalt  }
0x7a: {  	_ =	shalt  }
0x7b: {  	_ =	shalt  }
0x7c: {  	_ =	shalt  }
0x7d: {  	_ =	shalt  }
0x7e: {  	_ =	shalt  }
0x7f: {  	_ =	shalt  }
0x80: {  	_ =	shalt  }
0x81: {  	_ =	shalt  }
0x82: {  	_ =	shalt  }
0x83: {  	_ =	shalt  }
0x84: {  	_ =	shalt  }
0x85: {  	_ =	shalt  }
0x86: {  	_ =	shalt  }
0x87: {  	_ =	shalt  }
.Lfunc_end0:
.L_simem_size_0:
called_computation_lowered:
.L_overlay_start_0:
0x88: {  	s2 =	sld [smem:$0x3FD9]  }
0x89: {  	s3 =	sld [smem:$0x3FFE];
	_ =	sdelay $0x1  }
0x8a: {  	s1 =	srdreg.scid  }
0x8b: {  	s0 =	sand.u32 $0x1, s1  }
0x8c: {  	s17 =	sshll.u32 s0, $0xA;
	s2 =	sadd.s32 s3, s2  }
0x8d: {  	s2 =	sadd.s32 s2, s17  }
0x8e: {  	[smem:$0x3FC5] =	sst s2  }
0x8f: {  	_ = 	snop  }
0x90: {  	s2 =	sld [smem:$0x3FC8]  }
0x91: {  	s18 =	sld [smem:$0x3FC7]  }
0x92: {  	s4 =	sld [smem:$0x3FD0];
	(tm) =	ssettm $0x1  }
0x93: {  	s5 =	sld [smem:$0x3FFB];
	_ =	sdelay $0x3  }
0x94: {  	_ =	strace s5  }
0x95: {  	s5 =	sld [smem:$0x3FFC];
	_ =	sdelay $0x3  }
0x96: {  	_ =	strace s5  }
0x97: {  	s5 =	sld [smem:$0x3FFD];
	_ =	sdelay $0x3  }
0x98: {  	_ =	strace s5  }
0x99: {  	_ =	strace $0x8FFFFFFF  }
0x9a: {  	s19 =	sld [smem:$0x3FDB];
	_ =	sdelay $0x1  }
0x9b: {  	s6 =	simm.s32 $_scs_section_size  }
0x9c: {  	s7 =	simm.s32 $_size__tile_overlayer_lowered;
	s8 =	simm.s32 $_tile_overlayer_lowered  }
0x9d: {  	s22 =	simm.s32 $0x1BFF;
	s21 =	sshll.u32 s8, $0x1;
	s5 =	sadd.s32 s6, s19  }
0x9e: {  	s9 =	simm.s32 $0x0;
	s20 =	sshll.u32 s7, $0x1;
	s7 =	sadd.s32 s21, s5  }
0x9f: {  	[timem:s9], [sflag:s22] =	dma.local [hbm:s7], s20  }
0xa0: {  	_ =	swait.ge [sflag:s22], s20  }
0xa1: {  	s6 =	ssub.s32 $0x0, s20;
	[sflag:s22] =	ssyncset.done $0x0  }
0xa2: {  	[sflag:s22] =	ssyncadd.s32 s6;
	_ =	sdelay $0x1  }
0xa3: {  	s23 =	simm.s32 $0x1B8B  }
0xa4: {  	_ =	swait.ge [sflag:s23], $0x1  }
0xa5: {  	[sflag:s23] =	ssyncset.done $0x0  }
0xa6: {  	s25 =	simm.s32 $0x1B8E;
	s24 =	sld [smem:$0x3FFE];
	[sflag:s23] =	ssyncadd.s32 $0xFFFFFFFF  }
0xa7: {  	s26 =	simm.s32 $execute0_lowered;
	[smem:$0x3FD2] =	sst s25  }
0xa8: {  	s7 =	sshll.u32 s26, $0x1;
	_ =	strace $0x80000046;
	[dreg:$0x1] =	wrdreg $0xFFFFFFFF  }
0xa9: {  	s28 =	simm.s32 $_size_execute0_lowered;
	s5 =	sadd.s32 s5, s7;
	[dreg:$0x0] =	wrdreg $0x0  }
0xaa: {  	s7 =	sshll.u32 s28, $0x1;
	[dreg:$0x2] =	wrdreg s5  }
0xab: {  	[dreg:$0x3] =	wrdreg s7  }
0xac: {  	[dreg:$0x4] =	wrdreg $0xC0  }
0xad: {  	_ =	task [dreg:s9], $0x5FFFF  }
0xae: {  	[dreg:$0x1] =	wrdreg $0xFFFFFFFF  }
0xaf: {  	[dreg:$0x0] =	wrdreg $0x60  }
0xb0: {  	[dreg:$0x2] =	wrdreg s24  }
0xb1: {  	[dreg:$0x3] =	wrdreg s2  }
0xb2: {  	[dreg:$0x4] =	wrdreg s18  }
0xb3: {  	[dreg:$0x5] =	wrdreg s4  }
0xb4: {  	[dreg:$0x6] =	wrdreg $0x1A4000  }
0xb5: {  	[dreg:$0x7] =	wrdreg $0x9  }
0xb6: {  	_ =	task.clear_ibuf [dreg:s9], $0x8FFFF;
	_ =	strace $0x90000046  }
0xb7: {  	s29 =	simm.s32 $0x9;
	_ =	strace $0x80000048  }
0xb8: {  	_ =	swait.ge [sflag:s29], $0x1  }
0xb9: {  	[sflag:s29] =	ssyncadd.s32 $0xFFFFFFFF  }
0xba: {  	_ =	strace $0x90000048  }
0xbb: {  	_ =	sfence  }
0xbc: {  	s30 =	sld [smem:$0x0];
	_ =	sdelay $0x2  }
0xbd: {  	s31 =	sshll.u32 s1, $0xD;
	s1 =	sshrl.u32 s1, $0x2  }
0xbe: {  	s3 =	sand.u32 $0x4000, s31;
	s1 =	sadd.s32 s1, s30  }
0xbf: {  	s0 =	sor.u32 s3, s0;
	s1 =	sshll.u32 s1, $0x11  }
0xc0: {  	s0 =	sor.u32 s1, s0  }
0xc1: {  	s0 =	sadd.s32 $0x8F2B, s0  }
0xc2: {  	[sflag:s0] =	ssyncadd.remote.s32 $0x1  }
0xc3: {  	_ =	sfence.sel $0xFFFF  }
0xc4: {  	[dreg:$0x0] =	wrdreg $0xFFFFFFFF;
	(pc) =	sbr.abs _section_cstart, $3  }
0xc5: {  	[dreg:$0x1] =	wrdreg $0xFFFFFFFF  }
0xc6: {  	_ =	task.clear_ibuf [dreg:s9], $0x2FFFF;
	_ =	strace $0x9FFFFFFF  }
0xc7: {  	(tm) =	ssettm $0x7FFFFFFF  }
tec
execute0_lowered:
.L_overlay_start_1:
0x0: {  	(tag) =	ssettag $0x1  }
0x1: {  	s1 =	rddreg [dreg:$0x0]  }
0x2: {  	s0 =	rddreg [dreg:$0x1]  }
0x3: {  	s2 =	srdreg.scid;
	s6 =	rddreg [dreg:$0x3]  }
0x4: {  	s5 =	stileid.u32;
	s3 =	rddreg [dreg:$0x4];
	s28 =	simm.s32 $0x12400  }
0x5: {  	s29 =	simm.s32 $0x1;
	s30 =	simm.s32 $0xE;
	s31 =	simm.s32 $0x16400  }
0x6: {  	s12 =	simm.s32 $0x0;
	s2 =	sand.u32 $0x1, s2;
	s4 =	sshll.u32 s5, $0x1  }
0x7: {  	s18 =	smul.u32 $0x640000, s5;
	s19 =	sadd.s32 $0x4000, s3;
	s20 =	sadd.s32 $0x1C00, s3  }
0x8: {  	s11 =	sadd.s32 $0x5C00, s3;
	s22 =	smul.u32 $0xC8000, s5;
	p0 =	sne.s32 s5, $0x0  }
0x9: {  	s5 =	simm.s32 $0x7;
	s7 =	sor.u32 s2, s4;
	s21 =	smul.u32 $0x320000, s2  }
0xa: {  	s4 =	simm.s32 $0x0;
	s9 =	ssub.s32 $0x2, s2;
	s2 =	smul.u32 $0x64000, s2  }
0xb: {  	s8 =	smul.u32 $0x6400, s7;
	[smem:$0x7FF] =	sst s4;
	s10 =	sshrl.u32 s9, $0x1  }
0xc: {  	s7 =	smul.u32 $0x320000, s7;
	_ =	strace $0x80000047;
	[dreg:$0x7] =	wrdreg s19  }
0xd: {  	s17 =	ssub.s32 s9, s10;
	s9 =	sadd.s32 $0x6400, s3;
	[dreg:$0x8] =	wrdreg s20  }
0xe: {  	[dreg:$0x9] =	wrdreg s11;
	s8 =	sshrl.u32 s8, $0x3;
	s7 =	sshrl.u32 s7, $0x3  }
0xf: {  	s1 =	sadd.s32 s8, s1;
	s8 =	smax.u32 s17, $0x1;
	s7 =	sadd.s32 s6, s7  }
0x10: {  	s1 =	sadd.s32 $0x400, s1;
	[dreg:$0xa] =	wrdreg s8;
	s7 =	sadd.s32 $0x62800, s7  }
0x11: {  	s8 =	sadd.s32 s22, s6;
	[dreg:$0x6] =	wrdreg s1;
	s1 =	sadd.s32 s21, s18  }
0x12: {  	[dreg:$0xb] =	wrdreg s7;
	s2 =	sadd.s32 s2, s8;
	s21 =	simm.s32 $0x80  }
0x13: {  	s8 =	simm.s32 $0x5;
	s23 =	sor.u32 $0x10000, s1;
	s13 =	sor.u32 $0xC000, s1  }
0x14: {  	[dreg:$0xc] =	wrdreg s2;
	s26 =	sor.u32 $0x8000, s1;
	s1 =	sor.u32 $0x4000, s1  }
0x15: {  	s7 =	sshrl.u32 s23, $0x3;
	s25 =	sshrl.u32 s13, $0x3;
	s2 =	sshrl.u32 s26, $0x3  }
0x16: {  	s1 =	sshrl.u32 s1, $0x3;
	s26 =	simm.s32 $0xF;
	s24 =	sadd.s32 s7, s6  }
.Ltmp0:
0x17: {  	s13 =	sadd.s32 s25, s6;
	s14 =	sadd.s32 s2, s6;
	(pc) =	sbr.rel .LBB2_1-.Ltmp0, $4  }
0x18: {  	s15 =	sadd.s32 s1, s6;
	s1 =	sshrl.u32 @!p0 s3, $0x3;
	s25 =	simm.s32 $0xD  }
0x19: {  	s2 =	simm.s32 $0x2;
	s6 =	simm.s32 $0x4;
	[dreg:$0xd] =	wrdreg s24  }
0x1a: {  	s7 =	simm.s32 $0x8;
	[dreg:$0xe] =	wrdreg s1;
	s1 =	sshrl.u32 @!p0 s9, $0x3  }
0x1b: {  	s9 =	simm.s32 $0x9;
	[dreg:$0xf] =	wrdreg s1;
	s1 =	simm.s32 $0x6  }
.LBB2_4:
0x1c: {  	_ =	swait.ge [sflag:s9], $0x4000  }
0x1d: {  	[sflag:s9] =	ssyncset.done $0x0  }
0x1e: {  	s11 =	simm.s32 $0xA;
	[sflag:s9] =	ssyncadd.s32 $0xFFFFC000  }
0x1f: {  	_ =	swait.ge [sflag:s11], $0x4000  }
0x20: {  	s12 =	rddreg [dreg:$0x10]  }
0x21: {  	s10 =	rddreg [dreg:$0xa];
	s12 =	sadd.s32 $0x1, s12  }
0x22: {  	p1 =	sne.s32 s12, s10  }
.Ltmp1:
0x23: {  	_ = 	snop;
	(pc) =	sbr.rel @!p1 .LBB2_5-.Ltmp1, $3  }
0x24: {  	_ =	sdelay $0x1  }
0x25: {  	[sflag:s11] =	ssyncset.done $0x0  }
0x26: {  	[sflag:s11] =	ssyncadd.s32 $0xFFFFC000  }
.LBB2_1:
0x27: {  	[dreg:$0x10] =	wrdreg s12  }
0x28: {  	s10 =	rddreg [dreg:$0x2]  }
0x29: {  	s16 =	simm.s32 @!p0 $0x1C10;
	s11 =	rddreg [dreg:$0xe];
	s17 =	simm.s32 @!p0 $0x10  }
0x2a: {  	[spmem:s11], [sflag:s16] =	dma.local @!p0 [hbm:s10], $0xC80  }
0x2b: {  	_ =	swait.ge @!p0 [sflag:s17], $0xC80  }
0x2c: {  	[sflag:s17] =	ssyncset.done @!p0 $0x0  }
0x2d: {  	s11 =	rddreg [dreg:$0xf];
	[sflag:s17] =	ssyncadd.s32 @!p0 $0xFFFFF380  }
0x2e: {  	[spmem:s11], [sflag:s16] =	dma.local @!p0 [hbm:s10], $0x800  }
0x2f: {  	_ =	swait.ge @!p0 [sflag:s17], $0x800  }
0x30: {  	[sflag:s17] =	ssyncset.done @!p0 $0x0  }
0x31: {  	[sflag:s17] =	ssyncadd.s32 @!p0 $0xFFFFF800  }
0x32: {  	[bflag:$0x0] =	sbarrier.arrive $0xFFFF  }
0x33: {  	s11 =	simm.s32 $0x10;
	s24 =	rddreg [dreg:$0x6]  }
0x34: {  	[tilespmem:s4], [sflag:$0x10] =	stream.linear.gather [hbm4b:s24+s4], $0x6400, $0x38;
	[tilespmem:$0x1AE40] =	vst v63  }
0x35: {  	_ =	swait.ge [sflag:s11], $0x6400  }
0x36: {  	[sflag:s11] =	ssyncset.done $0x0  }
0x37: {  	s12 =	simm.s32 $0x6400;
	s16 =	simm.s32 $0xB;
	[sflag:s11] =	ssyncadd.s32 $0xFFFF9C00  }
0x38: {  	[tilespmem:s12], [sflag:$0xB] =	stream.linear.gather [spmem:s3], $0x4000, $0x38;
	[tilespmem:$0x1AE40] =	vst v63  }
0x39: {  	_ =	swait.ge [sflag:s16], $0x4000  }
0x3a: {  	[sflag:s16] =	ssyncset.done $0x0  }
0x3b: {  	[sflag:s16] =	ssyncadd.s32 $0xFFFFC000  }
0x3c: {  	[tilespmem:s12], [sflag:$0x1] =	stream.indirect.gather.add.f32 [hbm:s0], $0x80, s4, s21, $0xb8;
	[tilespmem:$0x1AE40] =	vst v63  }
0x3d: {  	s18 =	simm.s32 $0xA400;
	s19 =	simm.s32 $0xC;
	s17 =	rddreg [dreg:$0x7]  }
0x3e: {  	[tilespmem:s18], [sflag:$0xC] =	stream.linear.gather [spmem:s17], $0x4000, $0x38;
	[tilespmem:$0x1AE40] =	vst v63  }
0x3f: {  	_ =	swait.ge [sflag:s19], $0x4000  }
0x40: {  	[sflag:s19] =	ssyncset.done $0x0  }
0x41: {  	[sflag:s19] =	ssyncadd.s32 $0xFFFFC000  }
0x42: {  	[tilespmem:s18], [sflag:$0x2] =	stream.indirect.gather.add.f32 [hbm:s0], $0x80, s21, s21, $0xb8;
	[tilespmem:$0x1AE40] =	vst v63  }
0x43: {  	s22 =	simm.s32 $0xE400;
	s20 =	rddreg [dreg:$0x8]  }
0x44: {  	[tilespmem:s22], [sflag:$0xD] =	stream.linear.gather [spmem:s20], $0x4000, $0x38;
	[tilespmem:$0x1AE40] =	vst v63  }
0x45: {  	_ =	swait.ge [sflag:s25], $0x4000  }
0x46: {  	s23 =	simm.s32 $0x100;
	[sflag:s25] =	ssyncset.done $0x0  }
0x47: {  	s16 =	simm.s32 $0x0;
	s18 =	simm.s32 $0x380;
	[sflag:s25] =	ssyncadd.s32 $0xFFFFC000  }
0x48: {  	[tilespmem:s22], [sflag:$0x3] =	stream.indirect.gather.add.f32 [hbm:s0], $0x80, s23, s21, $0xb8;
	[tilespmem:$0x1AE40] =	vst v63  }
0x49: {  	s20 =	simm.s32 $0x7;
	s24 =	rddreg [dreg:$0x9];
	s23 =	simm.s32 $0x0  }
0x4a: {  	[tilespmem:s28], [sflag:$0xE] =	stream.linear.gather [spmem:s24], $0x4000, $0x38;
	[tilespmem:$0x1AE40] =	vst v63  }
.LBB2_2:
0x4b: {  	_ =	swait.ge [sflag:s29], $0x4000  }
0x4c: {  	s22 =	simm.s32 $0x6400;
	[sflag:s29] =	ssyncset.done $0x0;
	s10 =	rddreg [dreg:$0xc]  }
0x4d: {  	s24 =	sshll.u32 s20, $0x7;
	[sflag:s29] =	ssyncadd.s32 $0xFFFFC000;
	s17 =	sadd.s32 s23, s10  }
0x4e: {  	[hbm4b:s17+s4] =	stream.linear.scatter [tilespmem:s22], [sflag:$0x6], $0x4000, $0x38;
	[tilespmem:$0x1AE40] =	vst v63  }
0x4f: {  	s17 =	sadd.s32 $0xFFFFFE80, s24  }
0x50: {  	_ =	swait.ge [sflag:s30], $0x4000;
	s24 =	sand.u32 $0xFF80, s17  }
0x51: {  	[sflag:s30] =	ssyncset.done $0x0;
	s24 =	sshrl.u32 s24, $0x3  }
0x52: {  	s19 =	sadd.s32 $0xFFFFFE00, s18;
	[sflag:s30] =	ssyncadd.s32 $0xFFFFC000;
	s24 =	smul.u32 $0x147B, s24  }
0x53: {  	[tilespmem:s28], [sflag:$0x4] =	stream.indirect.gather.add.f32 [hbm:s0], $0x80, s19, s21, $0xb8;
	[tilespmem:$0x1AE40] =	vst v63  }
0x54: {  	s10 =	sshrl.u32 s24, $0x11  }
0x55: {  	s19 =	smul.u32 $0xC8, s10  }
0x56: {  	p1 =	seq.s32 s23, $0x0  }
0x57: {  	s24 =	simm.s32 @!p1 $0xA;
	s17 =	ssub.s32 s17, s19  }
0x58: {  	_ =	swait.ge @!p1 [sflag:s24], $0x4000;
	s17 =	sand.u32 $0xFFF8, s17  }
0x59: {  	[sflag:s24] =	ssyncset.done @!p1 $0x0;
	s17 =	sshll.u32 s17, $0x7  }
0x5a: {  	[sflag:s24] =	ssyncadd.s32 @!p1 $0xFFFFC000;
	s17 =	sadd.s32 s17, s3  }
0x5b: {  	[tilespmem:s31], [sflag:$0xF] =	stream.linear.gather [spmem:s17], $0x4000, $0x38;
	[tilespmem:$0x1AE40] =	vst v63  }
0x5c: {  	_ =	swait.ge [sflag:s2], $0x4000  }
0x5d: {  	[sflag:s2] =	ssyncset.done $0x0  }
0x5e: {  	s11 =	sadd.s32 s23, s15;
	s12 =	simm.s32 $0xA400;
	[sflag:s2] =	ssyncadd.s32 $0xFFFFC000  }
0x5f: {  	[hbm4b:s11+s4] =	stream.linear.scatter [tilespmem:s12], [sflag:$0x7], $0x4000, $0x38;
	[tilespmem:$0x1AE40] =	vst v63  }
0x60: {  	_ =	swait.ge [sflag:s26], $0x4000  }
0x61: {  	p1 =	seq.s32 s23, $0x61800;
	[sflag:s26] =	ssyncset.done $0x0  }
0x62: {  	s19 =	sadd.s32 $0xFFFFFE80, s18;
	s17 =	sshll.u32 @!p1 s20, $0x7;
	[sflag:s26] =	ssyncadd.s32 $0xFFFFC000  }
0x63: {  	[tilespmem:s31], [sflag:$0x5] =	stream.indirect.gather.add.f32 [hbm:s0], $0x80, s19, s21, $0xb8;
	[tilespmem:$0x1AE40] =	vst v63  }
0x64: {  	s19 =	sadd.s32 @!p1 $0xFFFFFF00, s17;
	_ =	swait.ge [sflag:s1], $0x4000  }
0x65: {  	s24 =	sand.u32 @!p1 $0xFF80, s19;
	[sflag:s1] =	ssyncset.done $0x0  }
0x66: {  	s22 =	simm.s32 @p1 $0x3;
	s24 =	sshrl.u32 @!p1 s24, $0x3;
	[sflag:s1] =	ssyncadd.s32 $0xFFFFC000  }
0x67: {  	s24 =	smul.u32 @!p1 $0x147B, s24;
	_ =	swait.ge @p1 [sflag:s22], $0x4000  }
0x68: {  	[sflag:s22] =	ssyncset.done @p1 $0x0  }
0x69: {  	s10 =	simm.s32 @p1 $0xE400;
	[sflag:s22] =	ssyncadd.s32 @p1 $0xFFFFC000;
	s22 =	sshrl.u32 @!p1 s24, $0x11  }
0x6a: {  	s11 =	rddreg [dreg:$0xb];
	s24 =	simm.s32 @p1 $0x0;
	s22 =	smul.u32 @!p1 $0xC8, s22  }
0x6b: {  	[hbm4b:s11+s24] =	stream.linear.scatter @p1 [tilespmem:s10], [sflag:$0x8], $0x4000, $0x38;
	[tilespmem:$0x1AE40] =	vst v63  }
0x6c: {  	s10 =	ssub.s32 @!p1 s19, s22  }
0x6d: {  	s10 =	sand.u32 @!p1 $0xFFF8, s10  }
0x6e: {  	s10 =	sshll.u32 @!p1 s10, $0x7  }
0x6f: {  	s19 =	simm.s32 @!p1 $0x6400;
	s10 =	sadd.s32 @!p1 s10, s3  }
0x70: {  	[tilespmem:s19], [sflag:$0xB] =	stream.linear.gather @!p1 [spmem:s10], $0x4000, $0x38;
	[tilespmem:$0x1AE40] =	vst v63  }
0x71: {  	s10 =	simm.s32 @!p1 $0x3  }
0x72: {  	_ =	swait.ge @!p1 [sflag:s10], $0x4000  }
0x73: {  	s24 =	simm.s32 @!p1 $0xE400;
	[sflag:s10] =	ssyncset.done @!p1 $0x0  }
0x74: {  	s22 =	simm.s32 @!p1 $0x0;
	[sflag:s10] =	ssyncadd.s32 @!p1 $0xFFFFC000;
	s10 =	sadd.s32 @!p1 s23, s14  }
0x75: {  	[hbm4b:s10+s22] =	stream.linear.scatter @!p1 [tilespmem:s24], [sflag:$0x8], $0x4000, $0x38;
	[tilespmem:$0x1AE40] =	vst v63  }
0x76: {  	s10 =	simm.s32 @!p1 $0xB  }
0x77: {  	s22 =	sadd.s32 $0xFFFFFFFF, s20;
	_ =	swait.ge @!p1 [sflag:s10], $0x4000  }
0x78: {  	s11 =	sshll.u32 @!p1 s22, $0x4;
	[sflag:s10] =	ssyncset.done @!p1 $0x0  }
0x79: {  	[sflag:s10] =	ssyncadd.s32 @!p1 $0xFFFFC000;
	s10 =	sand.u32 @!p1 $0x1FF0, s11  }
0x7a: {  	s12 =	simm.s32 @!p1 $0x80;
	s11 =	sadd.s32 @!p1 $0xFFFFFF00, s18;
	s10 =	smul.u32 @!p1 $0x147B, s10  }
0x7b: {  	[tilespmem:s19], [sflag:$0x1] =	stream.indirect.gather.add.f32 @!p1 [hbm:s0], $0x80, s11, s12, $0xb8;
	[tilespmem:$0x1AE40] =	vst v63  }
0x7c: {  	s10 =	sshrl.u32 @!p1 s10, $0x11  }
0x7d: {  	s10 =	smul.u32 @!p1 $0xC8, s10  }
0x7e: {  	s11 =	sshll.u32 @!p1 s22, $0x7  }
0x7f: {  	s10 =	ssub.s32 @!p1 s11, s10  }
0x80: {  	_ =	swait.ge [sflag:s5], $0x4000;
	s10 =	sand.u32 @!p1 $0xFFF8, s10  }
0x81: {  	[sflag:s5] =	ssyncset.done $0x0;
	s10 =	sshll.u32 @!p1 s10, $0x7  }
0x82: {  	[sflag:s5] =	ssyncadd.s32 $0xFFFFC000;
	s11 =	simm.s32 @!p1 $0xA400;
	s10 =	sadd.s32 @!p1 s10, s3  }
0x83: {  	[tilespmem:s11], [sflag:$0xC] =	stream.linear.gather @!p1 [spmem:s10], $0x4000, $0x38;
	[tilespmem:$0x1AE40] =	vst v63  }
0x84: {  	s10 =	sshll.u32 @!p1 s20, $0x4;
	_ =	swait.ge [sflag:s6], $0x4000  }
0x85: {  	s10 =	sand.u32 @!p1 $0x1FF0, s10;
	[sflag:s6] =	ssyncset.done $0x0  }
0x86: {  	s22 =	sadd.s32 s23, s13;
	s10 =	smul.u32 @!p1 $0x147B, s10;
	[sflag:s6] =	ssyncadd.s32 $0xFFFFC000  }
0x87: {  	[hbm4b:s22+s4] =	stream.linear.scatter [tilespmem:s28], [sflag:$0x9], $0x4000, $0x38;
	[tilespmem:$0x1AE40] =	vst v63  }
0x88: {  	s19 =	simm.s32 @!p1 $0xC;
	s10 =	sshrl.u32 @!p1 s10, $0x11  }
0x89: {  	_ =	swait.ge @!p1 [sflag:s19], $0x4000;
	s10 =	smul.u32 @!p1 $0xC8, s10  }
0x8a: {  	[sflag:s19] =	ssyncset.done @!p1 $0x0  }
0x8b: {  	[sflag:s19] =	ssyncadd.s32 @!p1 $0xFFFFC000;
	s19 =	sadd.s32 @!p1 $0xFFFFFF80, s18;
	s10 =	ssub.s32 @!p1 s17, s10  }
0x8c: {  	[tilespmem:s11], [sflag:$0x2] =	stream.indirect.gather.add.f32 @!p1 [hbm:s0], $0x80, s19, s12, $0xb8;
	[tilespmem:$0x1AE40] =	vst v63  }
0x8d: {  	s10 =	sand.u32 @!p1 $0xFFF8, s10;
	_ =	swait.ge [sflag:s7], $0x4000  }
0x8e: {  	s10 =	sshll.u32 @!p1 s10, $0x7;
	[sflag:s7] =	ssyncset.done $0x0  }
0x8f: {  	s10 =	sadd.s32 @!p1 s10, s3;
	[sflag:s7] =	ssyncadd.s32 $0xFFFFC000  }
0x90: {  	[tilespmem:s24], [sflag:$0xD] =	stream.linear.gather @!p1 [spmem:s10], $0x4000, $0x38;
	[tilespmem:$0x1AE40] =	vst v63  }
.Ltmp2:
0x91: {  	_ = 	snop;
	(pc) =	sbr.rel @p1 .LBB2_4-.Ltmp2, $4  }
0x92: {  	_ =	swait.ge [sflag:s8], $0x4000  }
0x93: {  	[sflag:s8] =	ssyncset.done $0x0;
	s24 =	rddreg [dreg:$0xd]  }
0x94: {  	[sflag:s8] =	ssyncadd.s32 $0xFFFFC000;
	s10 =	sadd.s32 s23, s24  }
0x95: {  	[hbm4b:s10+s4] =	stream.linear.scatter [tilespmem:s31], [sflag:$0xA], $0x4000, $0x38;
	[tilespmem:$0x1AE40] =	vst v63  }
0x96: {  	s10 =	sadd.s32 $0x400, s16  }
0x97: {  	s11 =	sand.u32 $0xFFF8, s10  }
0x98: {  	s11 =	sshrl.u32 s11, $0x3  }
0x99: {  	s11 =	smul.u32 $0x147B, s11  }
0x9a: {  	_ =	swait.ge [sflag:s25], $0x4000  }
0x9b: {  	[sflag:s25] =	ssyncset.done $0x0;
	s11 =	sshrl.u32 s11, $0x11  }
0x9c: {  	s12 =	simm.s32 $0xE400;
	[sflag:s25] =	ssyncadd.s32 $0xFFFFC000;
	s11 =	smul.u32 $0xC8, s11  }
0x9d: {  	[tilespmem:s12], [sflag:$0x3] =	stream.indirect.gather.add.f32 [hbm:s0], $0x80, s18, s21, $0xb8;
	[tilespmem:$0x1AE40] =	vst v63  }
.Ltmp3:
0x9e: {  	s16 =	sadd.s32 $0x280, s16;
	s10 =	ssub.s32 s10, s11;
	(pc) =	sbr.rel .LBB2_2-.Ltmp3, $4  }
0x9f: {  	s23 =	sadd.s32 $0x2800, s23;
	_ =	swait.ge [sflag:s9], $0x4000;
	s10 =	sand.u32 $0xFFFF, s10  }
0xa0: {  	s20 =	sadd.s32 $0x5, s20;
	[sflag:s9] =	ssyncset.done $0x0;
	s10 =	sshll.u32 s10, $0x7  }
0xa1: {  	s18 =	sadd.s32 $0x280, s18;
	[sflag:s9] =	ssyncadd.s32 $0xFFFFC000;
	s10 =	sadd.s32 s10, s3  }
0xa2: {  	[tilespmem:s28], [sflag:$0xE] =	stream.linear.gather [spmem:s10], $0x4000, $0x38;
	[tilespmem:$0x1AE40] =	vst v63  }
.LBB2_5:
0xa3: {  	_ =	sfence.sel $0x180000  }
0xa4: {  	[bflag:$0x0] =	sbarrier.arrive $0xFFFF  }
0xa5: {  	_ =	strace $0x90000047  }
0xa6: {  	[bflag:$0x2] =	sbarrier.arrive $0xFFFF  }
0xa7: {  	s0 =	rddreg [dreg:$0x5]  }
0xa8: {  	s0 =	sadd.s32 @!p0 $0x100000, s0  }
0xa9: {  	[sflag:s0] =	ssyncadd.tile.s32 @!p0 $0x1;
	_ =	shalt  }
.Lfunc_end2:
_tile_overlayer_lowered:
.L_overlay_start_2:
0xaa: {  	(tag) =	ssettag $0x2  }
0xab: {  	s0 =	rddreg [dreg:$0x0];
	s2 =	stileid.u32  }
0xac: {  	s1 =	rddreg [dreg:$0x1];
	p0 =	sne.s32 s2, $0x0  }
0xad: {  	s3 =	rddreg [dreg:$0x2];
	[bflag:$0x3] =	sbarrier.arrive $0xFFFF;
	s2 =	simm.s32 @!p0 $0x1C10  }
0xae: {  	[timem:s3], [sflag:s2] =	dma.local @!p0 [hbm:s0], s1  }
0xaf: {  	s0 =	simm.s32 @!p0 $0x10  }
0xb0: {  	_ =	swait.ge @!p0 [sflag:s0], s1  }
0xb1: {  	s1 =	ssub.s32 @!p0 $0x0, s1;
	[sflag:s0] =	ssyncset.done @!p0 $0x0  }
0xb2: {  	[sflag:s0] =	ssyncadd.s32 @!p0 s1  }
0xb3: {  	[bflag:$0x3] =	sbarrier.arrive $0xFFFF  }
0xb4: {  	_ =	shalt  }

</sc_bundles>
